<compile_context>
chip_gen: v7x
topology: tpu7x:2x2x1
jax: 0.10.2.dev20260603
libtpu: 0.0.44.dev20260713+nightly
codegen_flags: <defaults>
</compile_context>

<pallas_src>
import jax
import jax.numpy as jnp
from jax import lax
from jax.experimental import pallas as pl
from jax.experimental.pallas import tpu as pltpu
from jax.experimental.pallas import tpu_sc as plsc

IN_N = 4096
OUT_N = 1024
DELAYS = 16
V_TH = 1.0
TAU = 5.0

SC_ROWS = 256
NW = 32
ROWS_PER_W = SC_ROWS // NW
TC_ROWS = OUT_N - SC_ROWS

BJ = 32
NSTEP_TC = TC_ROWS // BJ

HALF_K = DELAYS // 2
HALF_I = IN_N // 2
CSTEPS = HALF_I // 16


def _o_body(t_ref, x_ref, d_ref, o_ref):
    tval = t_ref[0, 0]
    xx = x_ref[...]
    tt = tval - xx - d_ref[...]
    mask = jnp.logical_and(xx != -1.0, tt >= 0.0)
    o_ref[...] = jnp.where(mask, tt * jnp.exp(1.0 - tt / TAU) / TAU, 0.0)


def _tc_body(t_ref, s_ref, o_ref, w_ref, out_ref):
    tval = t_ref[0, 0]
    prod = w_ref[...] * o_ref[...][None]
    v = jnp.sum(prod, axis=(1, 2))
    s_old = s_ref[...]
    fire = jnp.logical_and(s_old < 0.0, v[:, None] >= V_TH)
    out_ref[...] = jnp.where(fire, tval, s_old)


def _sel_body(t_ref, s_ref, v_ref, out_ref):
    tval = t_ref[0, 0]
    s_old = s_ref[...]
    fire = jnp.logical_and(s_old < 0.0, v_ref[...] >= V_TH)
    out_ref[...] = jnp.where(fire, tval, s_old)


def _sc_body(w_hbm, o_hbm, out_hbm, o_v, rv0, rv1, vout_v, sem0, sem1):
    wid = lax.axis_index("s") * 2 + lax.axis_index("c")
    base = TC_ROWS + wid * ROWS_PER_W
    pltpu.sync_copy(o_hbm, o_v)

    @pl.loop(0, ROWS_PER_W)
    def _(r):
        j = base + r
        rvs = (rv0, rv1)
        sems = (sem0, sem1)

        def chunk_src(m):
            h, half = divmod(m, 2)
            return w_hbm.at[j, pl.ds(h * HALF_K, HALF_K),
                            pl.ds(half * HALF_I, HALF_I)]

        cps = {0: pltpu.async_copy(chunk_src(0), rv0, sem0)}
        acc = jnp.zeros((16,), jnp.float32)
        for m in range(4):
            if m < 3:
                nb = (m + 1) % 2
                cps[m + 1] = pltpu.async_copy(chunk_src(m + 1), rvs[nb], sems[nb])
            cps[m].wait()
            rv = rvs[m % 2]
            h, half = divmod(m, 2)
            for kp in range(HALF_K):
                def mac(c, a, _kp=kp, _h=h, _half=half, _rv=rv):
                    return a + (_rv[_kp, pl.ds(c * 16, 16)]
                                * o_v[_h * HALF_K + _kp,
                                      pl.ds(_half * HALF_I + c * 16, 16)])
                acc = lax.fori_loop(0, CSTEPS, mac, acc)
        vout_v[r] = jnp.full((16,), jnp.sum(acc), jnp.float32)

    pltpu.sync_copy(vout_v, out_hbm.at[wid])


def kernel(t, x, w, d, s):
    wt = jnp.transpose(w, (0, 2, 1))
    x2 = x.reshape(1, IN_N)
    d2 = d.reshape(DELAYS, 1)
    t2 = jnp.asarray(t, jnp.float32).reshape(1, 1)
    s2 = s.reshape(OUT_N, 1)

    o_plane = pl.pallas_call(
        _o_body,
        in_specs=[
            pl.BlockSpec((1, 1), lambda: (0, 0)),
            pl.BlockSpec((1, IN_N), lambda: (0, 0)),
            pl.BlockSpec((DELAYS, 1), lambda: (0, 0)),
        ],
        out_specs=pl.BlockSpec((DELAYS, IN_N), lambda: (0, 0)),
        out_shape=jax.ShapeDtypeStruct((DELAYS, IN_N), jnp.float32),
    )(t2, x2, d2)

    out_tc = pl.pallas_call(
        _tc_body,
        grid=(NSTEP_TC,),
        in_specs=[
            pl.BlockSpec((1, 1), lambda c: (0, 0)),
            pl.BlockSpec((BJ, 1), lambda c: (c, 0)),
            pl.BlockSpec((DELAYS, IN_N), lambda c: (0, 0)),
            pl.BlockSpec((BJ, DELAYS, IN_N), lambda c: (c, 0, 0)),
        ],
        out_specs=pl.BlockSpec((BJ, 1), lambda c: (c, 0)),
        out_shape=jax.ShapeDtypeStruct((TC_ROWS, 1), jnp.float32),
    )(t2, s2, o_plane, wt)

    mesh = plsc.VectorSubcoreMesh(core_axis_name="c", subcore_axis_name="s")
    sck = pl.kernel(
        _sc_body,
        mesh=mesh,
        out_type=jax.ShapeDtypeStruct((NW, ROWS_PER_W, 16), jnp.float32),
        scratch_types=[
            pltpu.VMEM((DELAYS, IN_N), jnp.float32),
            pltpu.VMEM((HALF_K, HALF_I), jnp.float32),
            pltpu.VMEM((HALF_K, HALF_I), jnp.float32),
            pltpu.VMEM((ROWS_PER_W, 16), jnp.float32),
            pltpu.SemaphoreType.DMA,
            pltpu.SemaphoreType.DMA,
        ],
        compiler_params=pltpu.CompilerParams(use_tc_tiling_on_sc=True,
                                             needs_layout_passes=False),
    )
    v_pad = sck(wt, o_plane)
    v_sc = v_pad[:, :, 0].reshape(SC_ROWS, 1)

    out_sc = pl.pallas_call(
        _sel_body,
        in_specs=[
            pl.BlockSpec((1, 1), lambda: (0, 0)),
            pl.BlockSpec((SC_ROWS, 1), lambda: (0, 0)),
            pl.BlockSpec((SC_ROWS, 1), lambda: (0, 0)),
        ],
        out_specs=pl.BlockSpec((SC_ROWS, 1), lambda: (0, 0)),
        out_shape=jax.ShapeDtypeStruct((SC_ROWS, 1), jnp.float32),
    )(t2, s2[TC_ROWS:], v_sc)

    return jnp.concatenate([out_tc.reshape(TC_ROWS), out_sc.reshape(SC_ROWS)])

# --- scband reference (transcript-rebuilt; emitter-appended) ---
"""Pipeline reference for scband-bohte-61246233641480 (READ-ONLY COPY).

The authoritative reference and input builder live on the scoring server;
editing this copy changes nothing except your own understanding.
"""

import jax, jax.numpy as jnp
import numpy as np

IN_N = 4096
OUT_N = 1024
DELAYS = 16
V_TH = 1.0
TAU = 5.0


def setup_inputs(seed: int = 0) -> dict:
    key = jax.random.key(seed)
    k1, k2 = jax.random.split(key, 2)
    # forward args per input_specs
    t = jnp.ones((), dtype=jnp.float32)
    x = jax.random.uniform(k1, (IN_N,), dtype=jnp.float32)
    # module buffers / learned state (as set by Bohte.initialize())
    w = jax.random.uniform(k2, (OUT_N, IN_N, DELAYS), dtype=jnp.float32) * 0.02
    d = jnp.zeros((DELAYS,), dtype=jnp.float32)
    s = -jnp.ones((OUT_N,), dtype=jnp.float32)
    return {"t": t, "x": x, "w": w, "d": d, "s": s}


def reference(t, x, w, d, s):
    # response(t, x, d): kernelized spike response per (in_neuron, delay)
    xx = x[:, None]                      # [IN_N, 1] broadcast to [IN_N, DELAYS]
    dd = d[None, :]                      # [1, DELAYS]
    tt = t - xx - dd                     # [IN_N, DELAYS]
    mask = jnp.logical_and(xx != -1.0, tt >= 0.0)
    o = jnp.where(mask, tt * jnp.exp(1.0 - tt / TAU) / TAU, 0.0)
    # membrane potential: v[j] = sum_{i,k} w[j,i,k] * o[i,k]
    v = jnp.sum(w * o[None, :, :], axis=(1, 2))  # [OUT_N]
    # record first spike time where threshold crossed and no prior spike
    fire = jnp.logical_and(s < 0.0, v >= V_TH)
    s_new = jnp.where(fire, t, s)
    return s_new

if __name__ == "__main__":
    import jax
    _d = setup_inputs()
    print(jax.jit(kernel)(*tuple(_d.values())))

</pallas_src>

<mosaic_0001>
#map = affine_map<(d0, d1) -> (0, 0, 0)>
#map1 = affine_map<(d0, d1) -> (0, 0)>
module attributes {stable_mosaic.version = 14 : i64} {
  func.func @_sc_body(%arg0: i32, %arg1: i32, %arg2: memref<1024x16x4096xf32, #tpu.memory_space<hbm>>, %arg3: memref<16x4096xf32, #tpu.memory_space<hbm>>, %arg4: memref<32x8x16xf32, #tpu.memory_space<hbm>>, %arg5: memref<16x4096xf32, #tpu.memory_space<vmem>>, %arg6: memref<8x2048xf32, #tpu.memory_space<vmem>>, %arg7: memref<8x2048xf32, #tpu.memory_space<vmem>>, %arg8: memref<8x16xf32, #tpu.memory_space<vmem>>, %arg9: memref<!tpu.dma_semaphore, #tpu.memory_space<semaphore_mem>>, %arg10: memref<!tpu.dma_semaphore, #tpu.memory_space<semaphore_mem>>) attributes {dimension_semantics = [#tpu.dimension_semantics<core_parallel>, #tpu.dimension_semantics<subcore_parallel>], iteration_bounds = array<i64: 2, 16>, scalar_prefetch = 0 : i64, scratch_operands = 6 : i64, tpu.core_type = #tpu.core_type<sc_vector_subcore>, window_params = [{transform_indices = #map}, {transform_indices = #map1}, {transform_indices = #map}]} {
    %mul3A = arith.constant 2 : i32
    %mul3A_0 = arith.muli %arg1, %mul3A : i32
    %add3A = arith.addi %mul3A_0, %arg0 : i32
    %mul3A_1 = arith.constant 8 : i32
    %mul3A_2 = arith.muli %add3A, %mul3A_1 : i32
    %add3A_3 = arith.constant 768 : i32
    %add3A_4 = arith.addi %add3A_3, %mul3A_2 : i32
    "tpu.region"() ({
      %run_scoped3A = tpu.sem_alloc : memref<!tpu.dma_semaphore, #tpu.memory_space<semaphore_mem>>
      tpu.enqueue_dma source(%arg3 : memref<16x4096xf32, #tpu.memory_space<hbm>>) target(%arg5 : memref<16x4096xf32, #tpu.memory_space<vmem>>) target_semaphore(%run_scoped3A : memref<!tpu.dma_semaphore, #tpu.memory_space<semaphore_mem>>)
      tpu.wait_dma2 semaphore(%run_scoped3A : memref<!tpu.dma_semaphore, #tpu.memory_space<semaphore_mem>>) src(%arg3 : memref<16x4096xf32, #tpu.memory_space<hbm>>) dst(%arg5 : memref<16x4096xf32, #tpu.memory_space<vmem>>)
      tpu.yield
    }) : () -> ()
    %scan3A = arith.constant 0 : i32
    %scan3A_5 = arith.constant 8 : i32
    %scan3A_6 = arith.addi %scan3A, %scan3A_5 : i32
    %scan3A_7 = arith.constant 1 : i32
    scf.for %scan3A_9 = %scan3A to %scan3A_6 step %scan3A_7  : i32 {
      %mul3A_10 = arith.constant 1 : i32
      %mul3A_11 = arith.muli %scan3A_9, %mul3A_10 : i32
      %add3A_12 = arith.constant 0 : i32
      %add3A_13 = arith.addi %add3A_12, %mul3A_11 : i32
      %add3A_14 = arith.addi %add3A_4, %add3A_13 : i32
      %dma_start3A = arith.constant 0 : i32
      %dma_start3A_15 = arith.constant 0 : i32
      %dma_start3A_16 = tpu.memref_slice %arg2[%add3A_14, %dma_start3A, %dma_start3A_15] : memref<1024x16x4096xf32, #tpu.memory_space<hbm>> -> memref<1x8x2048xf32, #tpu.memory_space<hbm>>
      %dma_start3A_17 = tpu.memref_squeeze %dma_start3A_16 : memref<1x8x2048xf32, #tpu.memory_space<hbm>> -> memref<8x2048xf32, #tpu.memory_space<hbm>>
      %dma_start3A_18 = arith.constant 0 : i32
      %dma_start3A_19 = arith.constant 0 : i32
      %dma_start3A_20 = tpu.memref_slice %arg2[%add3A_14, %dma_start3A_18, %dma_start3A_19] : memref<1024x16x4096xf32, #tpu.memory_space<hbm>> -> memref<1x8x2048xf32, #tpu.memory_space<hbm>>
      %dma_start3A_21 = tpu.memref_squeeze %dma_start3A_20 : memref<1x8x2048xf32, #tpu.memory_space<hbm>> -> memref<8x2048xf32, #tpu.memory_space<hbm>>
      tpu.enqueue_dma source(%dma_start3A_21 : memref<8x2048xf32, #tpu.memory_space<hbm>>) target(%arg6 : memref<8x2048xf32, #tpu.memory_space<vmem>>) target_semaphore(%arg9 : memref<!tpu.dma_semaphore, #tpu.memory_space<semaphore_mem>>)
      %broadcast_in_dim3A = arith.constant 0.000000e+00 : f32
      %broadcast_in_dim3A_22 = vector.broadcast %broadcast_in_dim3A : f32 to vector<16xf32>
      %dma_start3A_23 = arith.constant 0 : i32
      %dma_start3A_24 = arith.constant 2048 : i32
      %dma_start3A_25 = tpu.memref_slice %arg2[%add3A_14, %dma_start3A_23, %dma_start3A_24] : memref<1024x16x4096xf32, #tpu.memory_space<hbm>> -> memref<1x8x2048xf32, #tpu.memory_space<hbm>>
      %dma_start3A_26 = tpu.memref_squeeze %dma_start3A_25 : memref<1x8x2048xf32, #tpu.memory_space<hbm>> -> memref<8x2048xf32, #tpu.memory_space<hbm>>
      %dma_start3A_27 = arith.constant 0 : i32
      %dma_start3A_28 = arith.constant 2048 : i32
      %dma_start3A_29 = tpu.memref_slice %arg2[%add3A_14, %dma_start3A_27, %dma_start3A_28] : memref<1024x16x4096xf32, #tpu.memory_space<hbm>> -> memref<1x8x2048xf32, #tpu.memory_space<hbm>>
      %dma_start3A_30 = tpu.memref_squeeze %dma_start3A_29 : memref<1x8x2048xf32, #tpu.memory_space<hbm>> -> memref<8x2048xf32, #tpu.memory_space<hbm>>
      tpu.enqueue_dma source(%dma_start3A_30 : memref<8x2048xf32, #tpu.memory_space<hbm>>) target(%arg7 : memref<8x2048xf32, #tpu.memory_space<vmem>>) target_semaphore(%arg10 : memref<!tpu.dma_semaphore, #tpu.memory_space<semaphore_mem>>)
      %dma_wait3A = arith.constant 0 : i32
      %dma_wait3A_31 = arith.constant 0 : i32
      %dma_wait3A_32 = tpu.memref_slice %arg2[%add3A_14, %dma_wait3A, %dma_wait3A_31] : memref<1024x16x4096xf32, #tpu.memory_space<hbm>> -> memref<1x8x2048xf32, #tpu.memory_space<hbm>>
      %dma_wait3A_33 = tpu.memref_squeeze %dma_wait3A_32 : memref<1x8x2048xf32, #tpu.memory_space<hbm>> -> memref<8x2048xf32, #tpu.memory_space<hbm>>
      %dma_wait3A_34 = arith.constant 0 : i32
      %dma_wait3A_35 = arith.constant 0 : i32
      %dma_wait3A_36 = tpu.memref_slice %arg2[%add3A_14, %dma_wait3A_34, %dma_wait3A_35] : memref<1024x16x4096xf32, #tpu.memory_space<hbm>> -> memref<1x8x2048xf32, #tpu.memory_space<hbm>>
      %dma_wait3A_37 = tpu.memref_squeeze %dma_wait3A_36 : memref<1x8x2048xf32, #tpu.memory_space<hbm>> -> memref<8x2048xf32, #tpu.memory_space<hbm>>
      tpu.wait_dma2 semaphore(%arg9 : memref<!tpu.dma_semaphore, #tpu.memory_space<semaphore_mem>>) src(%dma_wait3A_37 : memref<8x2048xf32, #tpu.memory_space<hbm>>) dst(%arg6 : memref<8x2048xf32, #tpu.memory_space<vmem>>)
      %scan3A_38 = arith.constant 0 : i32
      %scan3A_39 = arith.constant 128 : i32
      %scan3A_40 = arith.addi %scan3A_38, %scan3A_39 : i32
      %scan3A_41 = arith.constant 1 : i32
      %scan3A_42 = scf.for %scan3A_276 = %scan3A_38 to %scan3A_40 step %scan3A_41 iter_args(%scan3A_277 = %broadcast_in_dim3A_22) -> (vector<16xf32>)  : i32 {
        %mul3A_278 = arith.constant 16 : i32
        %mul3A_279 = arith.muli %scan3A_276, %mul3A_278 : i32
        %get3A = arith.constant 0 : i32
        %get3A_280 = arith.index_cast %get3A : i32 to index
        %get3A_281 = arith.index_cast %mul3A_279 : i32 to index
        %get3A_282 = tpu.vector_load %arg6[%get3A_280, %get3A_281] {strides = array<i32>} : memref<8x2048xf32, #tpu.memory_space<vmem>>, vector<16xf32>,
        %mul3A_283 = arith.constant 16 : i32
        %mul3A_284 = arith.muli %scan3A_276, %mul3A_283 : i32
        %add3A_285 = arith.constant 0 : i32
        %add3A_286 = arith.addi %add3A_285, %mul3A_284 : i32
        %get3A_287 = arith.constant 0 : i32
        %get3A_288 = arith.index_cast %get3A_287 : i32 to index
        %get3A_289 = arith.index_cast %add3A_286 : i32 to index
        %get3A_290 = tpu.vector_load %arg5[%get3A_288, %get3A_289] {strides = array<i32>} : memref<16x4096xf32, #tpu.memory_space<vmem>>, vector<16xf32>,
        %mul3A_291 = arith.mulf %get3A_282, %get3A_290 : vector<16xf32>
        %add3A_292 = arith.addf %scan3A_277, %mul3A_291 : vector<16xf32>
        scf.yield %add3A_292 : vector<16xf32>
      }
      %scan3A_43 = arith.constant 128 : i32
      %scan3A_44 = arith.constant 0 : i32
      %scan3A_45 = arith.constant 128 : i32
      %scan3A_46 = arith.addi %scan3A_44, %scan3A_45 : i32
      %scan3A_47 = arith.constant 1 : i32
      %scan3A_48 = scf.for %scan3A_276 = %scan3A_44 to %scan3A_46 step %scan3A_47 iter_args(%scan3A_277 = %scan3A_42) -> (vector<16xf32>)  : i32 {
        %mul3A_278 = arith.constant 16 : i32
        %mul3A_279 = arith.muli %scan3A_276, %mul3A_278 : i32
        %get3A = arith.constant 1 : i32
        %get3A_280 = arith.index_cast %get3A : i32 to index
        %get3A_281 = arith.index_cast %mul3A_279 : i32 to index
        %get3A_282 = tpu.vector_load %arg6[%get3A_280, %get3A_281] {strides = array<i32>} : memref<8x2048xf32, #tpu.memory_space<vmem>>, vector<16xf32>,
        %mul3A_283 = arith.constant 16 : i32
        %mul3A_284 = arith.muli %scan3A_276, %mul3A_283 : i32
        %add3A_285 = arith.constant 0 : i32
        %add3A_286 = arith.addi %add3A_285, %mul3A_284 : i32
        %get3A_287 = arith.constant 1 : i32
        %get3A_288 = arith.index_cast %get3A_287 : i32 to index
        %get3A_289 = arith.index_cast %add3A_286 : i32 to index
        %get3A_290 = tpu.vector_load %arg5[%get3A_288, %get3A_289] {strides = array<i32>} : memref<16x4096xf32, #tpu.memory_space<vmem>>, vector<16xf32>,
        %mul3A_291 = arith.mulf %get3A_282, %get3A_290 : vector<16xf32>
        %add3A_292 = arith.addf %scan3A_277, %mul3A_291 : vector<16xf32>
        scf.yield %add3A_292 : vector<16xf32>
      }
      %scan3A_49 = arith.constant 128 : i32
      %scan3A_50 = arith.constant 0 : i32
      %scan3A_51 = arith.constant 128 : i32
      %scan3A_52 = arith.addi %scan3A_50, %scan3A_51 : i32
      %scan3A_53 = arith.constant 1 : i32
      %scan3A_54 = scf.for %scan3A_276 = %scan3A_50 to %scan3A_52 step %scan3A_53 iter_args(%scan3A_277 = %scan3A_48) -> (vector<16xf32>)  : i32 {
        %mul3A_278 = arith.constant 16 : i32
        %mul3A_279 = arith.muli %scan3A_276, %mul3A_278 : i32
        %get3A = arith.constant 2 : i32
        %get3A_280 = arith.index_cast %get3A : i32 to index
        %get3A_281 = arith.index_cast %mul3A_279 : i32 to index
        %get3A_282 = tpu.vector_load %arg6[%get3A_280, %get3A_281] {strides = array<i32>} : memref<8x2048xf32, #tpu.memory_space<vmem>>, vector<16xf32>,
        %mul3A_283 = arith.constant 16 : i32
        %mul3A_284 = arith.muli %scan3A_276, %mul3A_283 : i32
        %add3A_285 = arith.constant 0 : i32
        %add3A_286 = arith.addi %add3A_285, %mul3A_284 : i32
        %get3A_287 = arith.constant 2 : i32
        %get3A_288 = arith.index_cast %get3A_287 : i32 to index
        %get3A_289 = arith.index_cast %add3A_286 : i32 to index
        %get3A_290 = tpu.vector_load %arg5[%get3A_288, %get3A_289] {strides = array<i32>} : memref<16x4096xf32, #tpu.memory_space<vmem>>, vector<16xf32>,
        %mul3A_291 = arith.mulf %get3A_282, %get3A_290 : vector<16xf32>
        %add3A_292 = arith.addf %scan3A_277, %mul3A_291 : vector<16xf32>
        scf.yield %add3A_292 : vector<16xf32>
      }
      %scan3A_55 = arith.constant 128 : i32
      %scan3A_56 = arith.constant 0 : i32
      %scan3A_57 = arith.constant 128 : i32
      %scan3A_58 = arith.addi %scan3A_56, %scan3A_57 : i32
      %scan3A_59 = arith.constant 1 : i32
      %scan3A_60 = scf.for %scan3A_276 = %scan3A_56 to %scan3A_58 step %scan3A_59 iter_args(%scan3A_277 = %scan3A_54) -> (vector<16xf32>)  : i32 {
        %mul3A_278 = arith.constant 16 : i32
        %mul3A_279 = arith.muli %scan3A_276, %mul3A_278 : i32
        %get3A = arith.constant 3 : i32
        %get3A_280 = arith.index_cast %get3A : i32 to index
        %get3A_281 = arith.index_cast %mul3A_279 : i32 to index
        %get3A_282 = tpu.vector_load %arg6[%get3A_280, %get3A_281] {strides = array<i32>} : memref<8x2048xf32, #tpu.memory_space<vmem>>, vector<16xf32>,
        %mul3A_283 = arith.constant 16 : i32
        %mul3A_284 = arith.muli %scan3A_276, %mul3A_283 : i32
        %add3A_285 = arith.constant 0 : i32
        %add3A_286 = arith.addi %add3A_285, %mul3A_284 : i32
        %get3A_287 = arith.constant 3 : i32
        %get3A_288 = arith.index_cast %get3A_287 : i32 to index
        %get3A_289 = arith.index_cast %add3A_286 : i32 to index
        %get3A_290 = tpu.vector_load %arg5[%get3A_288, %get3A_289] {strides = array<i32>} : memref<16x4096xf32, #tpu.memory_space<vmem>>, vector<16xf32>,
        %mul3A_291 = arith.mulf %get3A_282, %get3A_290 : vector<16xf32>
        %add3A_292 = arith.addf %scan3A_277, %mul3A_291 : vector<16xf32>
        scf.yield %add3A_292 : vector<16xf32>
      }
      %scan3A_61 = arith.constant 128 : i32
      %scan3A_62 = arith.constant 0 : i32
      %scan3A_63 = arith.constant 128 : i32
      %scan3A_64 = arith.addi %scan3A_62, %scan3A_63 : i32
      %scan3A_65 = arith.constant 1 : i32
      %scan3A_66 = scf.for %scan3A_276 = %scan3A_62 to %scan3A_64 step %scan3A_65 iter_args(%scan3A_277 = %scan3A_60) -> (vector<16xf32>)  : i32 {
        %mul3A_278 = arith.constant 16 : i32
        %mul3A_279 = arith.muli %scan3A_276, %mul3A_278 : i32
        %get3A = arith.constant 4 : i32
        %get3A_280 = arith.index_cast %get3A : i32 to index
        %get3A_281 = arith.index_cast %mul3A_279 : i32 to index
        %get3A_282 = tpu.vector_load %arg6[%get3A_280, %get3A_281] {strides = array<i32>} : memref<8x2048xf32, #tpu.memory_space<vmem>>, vector<16xf32>,
        %mul3A_283 = arith.constant 16 : i32
        %mul3A_284 = arith.muli %scan3A_276, %mul3A_283 : i32
        %add3A_285 = arith.constant 0 : i32
        %add3A_286 = arith.addi %add3A_285, %mul3A_284 : i32
        %get3A_287 = arith.constant 4 : i32
        %get3A_288 = arith.index_cast %get3A_287 : i32 to index
        %get3A_289 = arith.index_cast %add3A_286 : i32 to index
        %get3A_290 = tpu.vector_load %arg5[%get3A_288, %get3A_289] {strides = array<i32>} : memref<16x4096xf32, #tpu.memory_space<vmem>>, vector<16xf32>,
        %mul3A_291 = arith.mulf %get3A_282, %get3A_290 : vector<16xf32>
        %add3A_292 = arith.addf %scan3A_277, %mul3A_291 : vector<16xf32>
        scf.yield %add3A_292 : vector<16xf32>
      }
      %scan3A_67 = arith.constant 128 : i32
      %scan3A_68 = arith.constant 0 : i32
      %scan3A_69 = arith.constant 128 : i32
      %scan3A_70 = arith.addi %scan3A_68, %scan3A_69 : i32
      %scan3A_71 = arith.constant 1 : i32
      %scan3A_72 = scf.for %scan3A_276 = %scan3A_68 to %scan3A_70 step %scan3A_71 iter_args(%scan3A_277 = %scan3A_66) -> (vector<16xf32>)  : i32 {
        %mul3A_278 = arith.constant 16 : i32
        %mul3A_279 = arith.muli %scan3A_276, %mul3A_278 : i32
        %get3A = arith.constant 5 : i32
        %get3A_280 = arith.index_cast %get3A : i32 to index
        %get3A_281 = arith.index_cast %mul3A_279 : i32 to index
        %get3A_282 = tpu.vector_load %arg6[%get3A_280, %get3A_281] {strides = array<i32>} : memref<8x2048xf32, #tpu.memory_space<vmem>>, vector<16xf32>,
        %mul3A_283 = arith.constant 16 : i32
        %mul3A_284 = arith.muli %scan3A_276, %mul3A_283 : i32
        %add3A_285 = arith.constant 0 : i32
        %add3A_286 = arith.addi %add3A_285, %mul3A_284 : i32
        %get3A_287 = arith.constant 5 : i32
        %get3A_288 = arith.index_cast %get3A_287 : i32 to index
        %get3A_289 = arith.index_cast %add3A_286 : i32 to index
        %get3A_290 = tpu.vector_load %arg5[%get3A_288, %get3A_289] {strides = array<i32>} : memref<16x4096xf32, #tpu.memory_space<vmem>>, vector<16xf32>,
        %mul3A_291 = arith.mulf %get3A_282, %get3A_290 : vector<16xf32>
        %add3A_292 = arith.addf %scan3A_277, %mul3A_291 : vector<16xf32>
        scf.yield %add3A_292 : vector<16xf32>
      }
      %scan3A_73 = arith.constant 128 : i32
      %scan3A_74 = arith.constant 0 : i32
      %scan3A_75 = arith.constant 128 : i32
      %scan3A_76 = arith.addi %scan3A_74, %scan3A_75 : i32
      %scan3A_77 = arith.constant 1 : i32
      %scan3A_78 = scf.for %scan3A_276 = %scan3A_74 to %scan3A_76 step %scan3A_77 iter_args(%scan3A_277 = %scan3A_72) -> (vector<16xf32>)  : i32 {
        %mul3A_278 = arith.constant 16 : i32
        %mul3A_279 = arith.muli %scan3A_276, %mul3A_278 : i32
        %get3A = arith.constant 6 : i32
        %get3A_280 = arith.index_cast %get3A : i32 to index
        %get3A_281 = arith.index_cast %mul3A_279 : i32 to index
        %get3A_282 = tpu.vector_load %arg6[%get3A_280, %get3A_281] {strides = array<i32>} : memref<8x2048xf32, #tpu.memory_space<vmem>>, vector<16xf32>,
        %mul3A_283 = arith.constant 16 : i32
        %mul3A_284 = arith.muli %scan3A_276, %mul3A_283 : i32
        %add3A_285 = arith.constant 0 : i32
        %add3A_286 = arith.addi %add3A_285, %mul3A_284 : i32
        %get3A_287 = arith.constant 6 : i32
        %get3A_288 = arith.index_cast %get3A_287 : i32 to index
        %get3A_289 = arith.index_cast %add3A_286 : i32 to index
        %get3A_290 = tpu.vector_load %arg5[%get3A_288, %get3A_289] {strides = array<i32>} : memref<16x4096xf32, #tpu.memory_space<vmem>>, vector<16xf32>,
        %mul3A_291 = arith.mulf %get3A_282, %get3A_290 : vector<16xf32>
        %add3A_292 = arith.addf %scan3A_277, %mul3A_291 : vector<16xf32>
        scf.yield %add3A_292 : vector<16xf32>
      }
      %scan3A_79 = arith.constant 128 : i32
      %scan3A_80 = arith.constant 0 : i32
      %scan3A_81 = arith.constant 128 : i32
      %scan3A_82 = arith.addi %scan3A_80, %scan3A_81 : i32
      %scan3A_83 = arith.constant 1 : i32
      %scan3A_84 = scf.for %scan3A_276 = %scan3A_80 to %scan3A_82 step %scan3A_83 iter_args(%scan3A_277 = %scan3A_78) -> (vector<16xf32>)  : i32 {
        %mul3A_278 = arith.constant 16 : i32
        %mul3A_279 = arith.muli %scan3A_276, %mul3A_278 : i32
        %get3A = arith.constant 7 : i32
        %get3A_280 = arith.index_cast %get3A : i32 to index
        %get3A_281 = arith.index_cast %mul3A_279 : i32 to index
        %get3A_282 = tpu.vector_load %arg6[%get3A_280, %get3A_281] {strides = array<i32>} : memref<8x2048xf32, #tpu.memory_space<vmem>>, vector<16xf32>,
        %mul3A_283 = arith.constant 16 : i32
        %mul3A_284 = arith.muli %scan3A_276, %mul3A_283 : i32
        %add3A_285 = arith.constant 0 : i32
        %add3A_286 = arith.addi %add3A_285, %mul3A_284 : i32
        %get3A_287 = arith.constant 7 : i32
        %get3A_288 = arith.index_cast %get3A_287 : i32 to index
        %get3A_289 = arith.index_cast %add3A_286 : i32 to index
        %get3A_290 = tpu.vector_load %arg5[%get3A_288, %get3A_289] {strides = array<i32>} : memref<16x4096xf32, #tpu.memory_space<vmem>>, vector<16xf32>,
        %mul3A_291 = arith.mulf %get3A_282, %get3A_290 : vector<16xf32>
        %add3A_292 = arith.addf %scan3A_277, %mul3A_291 : vector<16xf32>
        scf.yield %add3A_292 : vector<16xf32>
      }
      %scan3A_85 = arith.constant 128 : i32
      %dma_start3A_86 = arith.constant 8 : i32
      %dma_start3A_87 = arith.constant 0 : i32
      %dma_start3A_88 = tpu.memref_slice %arg2[%add3A_14, %dma_start3A_86, %dma_start3A_87] : memref<1024x16x4096xf32, #tpu.memory_space<hbm>> -> memref<1x8x2048xf32, #tpu.memory_space<hbm>>
      %dma_start3A_89 = tpu.memref_squeeze %dma_start3A_88 : memref<1x8x2048xf32, #tpu.memory_space<hbm>> -> memref<8x2048xf32, #tpu.memory_space<hbm>>
      %dma_start3A_90 = arith.constant 8 : i32
      %dma_start3A_91 = arith.constant 0 : i32
      %dma_start3A_92 = tpu.memref_slice %arg2[%add3A_14, %dma_start3A_90, %dma_start3A_91] : memref<1024x16x4096xf32, #tpu.memory_space<hbm>> -> memref<1x8x2048xf32, #tpu.memory_space<hbm>>
      %dma_start3A_93 = tpu.memref_squeeze %dma_start3A_92 : memref<1x8x2048xf32, #tpu.memory_space<hbm>> -> memref<8x2048xf32, #tpu.memory_space<hbm>>
      tpu.enqueue_dma source(%dma_start3A_93 : memref<8x2048xf32, #tpu.memory_space<hbm>>) target(%arg6 : memref<8x2048xf32, #tpu.memory_space<vmem>>) target_semaphore(%arg9 : memref<!tpu.dma_semaphore, #tpu.memory_space<semaphore_mem>>)
      %dma_wait3A_94 = arith.constant 0 : i32
      %dma_wait3A_95 = arith.constant 2048 : i32
      %dma_wait3A_96 = tpu.memref_slice %arg2[%add3A_14, %dma_wait3A_94, %dma_wait3A_95] : memref<1024x16x4096xf32, #tpu.memory_space<hbm>> -> memref<1x8x2048xf32, #tpu.memory_space<hbm>>
      %dma_wait3A_97 = tpu.memref_squeeze %dma_wait3A_96 : memref<1x8x2048xf32, #tpu.memory_space<hbm>> -> memref<8x2048xf32, #tpu.memory_space<hbm>>
      %dma_wait3A_98 = arith.constant 0 : i32
      %dma_wait3A_99 = arith.constant 2048 : i32
      %dma_wait3A_100 = tpu.memref_slice %arg2[%add3A_14, %dma_wait3A_98, %dma_wait3A_99] : memref<1024x16x4096xf32, #tpu.memory_space<hbm>> -> memref<1x8x2048xf32, #tpu.memory_space<hbm>>
      %dma_wait3A_101 = tpu.memref_squeeze %dma_wait3A_100 : memref<1x8x2048xf32, #tpu.memory_space<hbm>> -> memref<8x2048xf32, #tpu.memory_space<hbm>>
      tpu.wait_dma2 semaphore(%arg10 : memref<!tpu.dma_semaphore, #tpu.memory_space<semaphore_mem>>) src(%dma_wait3A_101 : memref<8x2048xf32, #tpu.memory_space<hbm>>) dst(%arg7 : memref<8x2048xf32, #tpu.memory_space<vmem>>)
      %scan3A_102 = arith.constant 0 : i32
      %scan3A_103 = arith.constant 128 : i32
      %scan3A_104 = arith.addi %scan3A_102, %scan3A_103 : i32
      %scan3A_105 = arith.constant 1 : i32
      %scan3A_106 = scf.for %scan3A_276 = %scan3A_102 to %scan3A_104 step %scan3A_105 iter_args(%scan3A_277 = %scan3A_84) -> (vector<16xf32>)  : i32 {
        %mul3A_278 = arith.constant 16 : i32
        %mul3A_279 = arith.muli %scan3A_276, %mul3A_278 : i32
        %get3A = arith.constant 0 : i32
        %get3A_280 = arith.index_cast %get3A : i32 to index
        %get3A_281 = arith.index_cast %mul3A_279 : i32 to index
        %get3A_282 = tpu.vector_load %arg7[%get3A_280, %get3A_281] {strides = array<i32>} : memref<8x2048xf32, #tpu.memory_space<vmem>>, vector<16xf32>,
        %mul3A_283 = arith.constant 16 : i32
        %mul3A_284 = arith.muli %scan3A_276, %mul3A_283 : i32
        %add3A_285 = arith.constant 2048 : i32
        %add3A_286 = arith.addi %add3A_285, %mul3A_284 : i32
        %get3A_287 = arith.constant 0 : i32
        %get3A_288 = arith.index_cast %get3A_287 : i32 to index
        %get3A_289 = arith.index_cast %add3A_286 : i32 to index
        %get3A_290 = tpu.vector_load %arg5[%get3A_288, %get3A_289] {strides = array<i32>} : memref<16x4096xf32, #tpu.memory_space<vmem>>, vector<16xf32>,
        %mul3A_291 = arith.mulf %get3A_282, %get3A_290 : vector<16xf32>
        %add3A_292 = arith.addf %scan3A_277, %mul3A_291 : vector<16xf32>
        scf.yield %add3A_292 : vector<16xf32>
      }
      %scan3A_107 = arith.constant 128 : i32
      %scan3A_108 = arith.constant 0 : i32
      %scan3A_109 = arith.constant 128 : i32
      %scan3A_110 = arith.addi %scan3A_108, %scan3A_109 : i32
      %scan3A_111 = arith.constant 1 : i32
      %scan3A_112 = scf.for %scan3A_276 = %scan3A_108 to %scan3A_110 step %scan3A_111 iter_args(%scan3A_277 = %scan3A_106) -> (vector<16xf32>)  : i32 {
        %mul3A_278 = arith.constant 16 : i32
        %mul3A_279 = arith.muli %scan3A_276, %mul3A_278 : i32
        %get3A = arith.constant 1 : i32
        %get3A_280 = arith.index_cast %get3A : i32 to index
        %get3A_281 = arith.index_cast %mul3A_279 : i32 to index
        %get3A_282 = tpu.vector_load %arg7[%get3A_280, %get3A_281] {strides = array<i32>} : memref<8x2048xf32, #tpu.memory_space<vmem>>, vector<16xf32>,
        %mul3A_283 = arith.constant 16 : i32
        %mul3A_284 = arith.muli %scan3A_276, %mul3A_283 : i32
        %add3A_285 = arith.constant 2048 : i32
        %add3A_286 = arith.addi %add3A_285, %mul3A_284 : i32
        %get3A_287 = arith.constant 1 : i32
        %get3A_288 = arith.index_cast %get3A_287 : i32 to index
        %get3A_289 = arith.index_cast %add3A_286 : i32 to index
        %get3A_290 = tpu.vector_load %arg5[%get3A_288, %get3A_289] {strides = array<i32>} : memref<16x4096xf32, #tpu.memory_space<vmem>>, vector<16xf32>,
        %mul3A_291 = arith.mulf %get3A_282, %get3A_290 : vector<16xf32>
        %add3A_292 = arith.addf %scan3A_277, %mul3A_291 : vector<16xf32>
        scf.yield %add3A_292 : vector<16xf32>
      }
      %scan3A_113 = arith.constant 128 : i32
      %scan3A_114 = arith.constant 0 : i32
      %scan3A_115 = arith.constant 128 : i32
      %scan3A_116 = arith.addi %scan3A_114, %scan3A_115 : i32
      %scan3A_117 = arith.constant 1 : i32
      %scan3A_118 = scf.for %scan3A_276 = %scan3A_114 to %scan3A_116 step %scan3A_117 iter_args(%scan3A_277 = %scan3A_112) -> (vector<16xf32>)  : i32 {
        %mul3A_278 = arith.constant 16 : i32
        %mul3A_279 = arith.muli %scan3A_276, %mul3A_278 : i32
        %get3A = arith.constant 2 : i32
        %get3A_280 = arith.index_cast %get3A : i32 to index
        %get3A_281 = arith.index_cast %mul3A_279 : i32 to index
        %get3A_282 = tpu.vector_load %arg7[%get3A_280, %get3A_281] {strides = array<i32>} : memref<8x2048xf32, #tpu.memory_space<vmem>>, vector<16xf32>,
        %mul3A_283 = arith.constant 16 : i32
        %mul3A_284 = arith.muli %scan3A_276, %mul3A_283 : i32
        %add3A_285 = arith.constant 2048 : i32
        %add3A_286 = arith.addi %add3A_285, %mul3A_284 : i32
        %get3A_287 = arith.constant 2 : i32
        %get3A_288 = arith.index_cast %get3A_287 : i32 to index
        %get3A_289 = arith.index_cast %add3A_286 : i32 to index
        %get3A_290 = tpu.vector_load %arg5[%get3A_288, %get3A_289] {strides = array<i32>} : memref<16x4096xf32, #tpu.memory_space<vmem>>, vector<16xf32>,
        %mul3A_291 = arith.mulf %get3A_282, %get3A_290 : vector<16xf32>
        %add3A_292 = arith.addf %scan3A_277, %mul3A_291 : vector<16xf32>
        scf.yield %add3A_292 : vector<16xf32>
      }
      %scan3A_119 = arith.constant 128 : i32
      %scan3A_120 = arith.constant 0 : i32
      %scan3A_121 = arith.constant 128 : i32
      %scan3A_122 = arith.addi %scan3A_120, %scan3A_121 : i32
      %scan3A_123 = arith.constant 1 : i32
      %scan3A_124 = scf.for %scan3A_276 = %scan3A_120 to %scan3A_122 step %scan3A_123 iter_args(%scan3A_277 = %scan3A_118) -> (vector<16xf32>)  : i32 {
        %mul3A_278 = arith.constant 16 : i32
        %mul3A_279 = arith.muli %scan3A_276, %mul3A_278 : i32
        %get3A = arith.constant 3 : i32
        %get3A_280 = arith.index_cast %get3A : i32 to index
        %get3A_281 = arith.index_cast %mul3A_279 : i32 to index
        %get3A_282 = tpu.vector_load %arg7[%get3A_280, %get3A_281] {strides = array<i32>} : memref<8x2048xf32, #tpu.memory_space<vmem>>, vector<16xf32>,
        %mul3A_283 = arith.constant 16 : i32
        %mul3A_284 = arith.muli %scan3A_276, %mul3A_283 : i32
        %add3A_285 = arith.constant 2048 : i32
        %add3A_286 = arith.addi %add3A_285, %mul3A_284 : i32
        %get3A_287 = arith.constant 3 : i32
        %get3A_288 = arith.index_cast %get3A_287 : i32 to index
        %get3A_289 = arith.index_cast %add3A_286 : i32 to index
        %get3A_290 = tpu.vector_load %arg5[%get3A_288, %get3A_289] {strides = array<i32>} : memref<16x4096xf32, #tpu.memory_space<vmem>>, vector<16xf32>,
        %mul3A_291 = arith.mulf %get3A_282, %get3A_290 : vector<16xf32>
        %add3A_292 = arith.addf %scan3A_277, %mul3A_291 : vector<16xf32>
        scf.yield %add3A_292 : vector<16xf32>
      }
      %scan3A_125 = arith.constant 128 : i32
      %scan3A_126 = arith.constant 0 : i32
      %scan3A_127 = arith.constant 128 : i32
      %scan3A_128 = arith.addi %scan3A_126, %scan3A_127 : i32
      %scan3A_129 = arith.constant 1 : i32
      %scan3A_130 = scf.for %scan3A_276 = %scan3A_126 to %scan3A_128 step %scan3A_129 iter_args(%scan3A_277 = %scan3A_124) -> (vector<16xf32>)  : i32 {
        %mul3A_278 = arith.constant 16 : i32
        %mul3A_279 = arith.muli %scan3A_276, %mul3A_278 : i32
        %get3A = arith.constant 4 : i32
        %get3A_280 = arith.index_cast %get3A : i32 to index
        %get3A_281 = arith.index_cast %mul3A_279 : i32 to index
        %get3A_282 = tpu.vector_load %arg7[%get3A_280, %get3A_281] {strides = array<i32>} : memref<8x2048xf32, #tpu.memory_space<vmem>>, vector<16xf32>,
        %mul3A_283 = arith.constant 16 : i32
        %mul3A_284 = arith.muli %scan3A_276, %mul3A_283 : i32
        %add3A_285 = arith.constant 2048 : i32
        %add3A_286 = arith.addi %add3A_285, %mul3A_284 : i32
        %get3A_287 = arith.constant 4 : i32
        %get3A_288 = arith.index_cast %get3A_287 : i32 to index
        %get3A_289 = arith.index_cast %add3A_286 : i32 to index
        %get3A_290 = tpu.vector_load %arg5[%get3A_288, %get3A_289] {strides = array<i32>} : memref<16x4096xf32, #tpu.memory_space<vmem>>, vector<16xf32>,
        %mul3A_291 = arith.mulf %get3A_282, %get3A_290 : vector<16xf32>
        %add3A_292 = arith.addf %scan3A_277, %mul3A_291 : vector<16xf32>
        scf.yield %add3A_292 : vector<16xf32>
      }
      %scan3A_131 = arith.constant 128 : i32
      %scan3A_132 = arith.constant 0 : i32
      %scan3A_133 = arith.constant 128 : i32
      %scan3A_134 = arith.addi %scan3A_132, %scan3A_133 : i32
      %scan3A_135 = arith.constant 1 : i32
      %scan3A_136 = scf.for %scan3A_276 = %scan3A_132 to %scan3A_134 step %scan3A_135 iter_args(%scan3A_277 = %scan3A_130) -> (vector<16xf32>)  : i32 {
        %mul3A_278 = arith.constant 16 : i32
        %mul3A_279 = arith.muli %scan3A_276, %mul3A_278 : i32
        %get3A = arith.constant 5 : i32
        %get3A_280 = arith.index_cast %get3A : i32 to index
        %get3A_281 = arith.index_cast %mul3A_279 : i32 to index
        %get3A_282 = tpu.vector_load %arg7[%get3A_280, %get3A_281] {strides = array<i32>} : memref<8x2048xf32, #tpu.memory_space<vmem>>, vector<16xf32>,
        %mul3A_283 = arith.constant 16 : i32
        %mul3A_284 = arith.muli %scan3A_276, %mul3A_283 : i32
        %add3A_285 = arith.constant 2048 : i32
        %add3A_286 = arith.addi %add3A_285, %mul3A_284 : i32
        %get3A_287 = arith.constant 5 : i32
        %get3A_288 = arith.index_cast %get3A_287 : i32 to index
        %get3A_289 = arith.index_cast %add3A_286 : i32 to index
        %get3A_290 = tpu.vector_load %arg5[%get3A_288, %get3A_289] {strides = array<i32>} : memref<16x4096xf32, #tpu.memory_space<vmem>>, vector<16xf32>,
        %mul3A_291 = arith.mulf %get3A_282, %get3A_290 : vector<16xf32>
        %add3A_292 = arith.addf %scan3A_277, %mul3A_291 : vector<16xf32>
        scf.yield %add3A_292 : vector<16xf32>
      }
      %scan3A_137 = arith.constant 128 : i32
      %scan3A_138 = arith.constant 0 : i32
      %scan3A_139 = arith.constant 128 : i32
      %scan3A_140 = arith.addi %scan3A_138, %scan3A_139 : i32
      %scan3A_141 = arith.constant 1 : i32
      %scan3A_142 = scf.for %scan3A_276 = %scan3A_138 to %scan3A_140 step %scan3A_141 iter_args(%scan3A_277 = %scan3A_136) -> (vector<16xf32>)  : i32 {
        %mul3A_278 = arith.constant 16 : i32
        %mul3A_279 = arith.muli %scan3A_276, %mul3A_278 : i32
        %get3A = arith.constant 6 : i32
        %get3A_280 = arith.index_cast %get3A : i32 to index
        %get3A_281 = arith.index_cast %mul3A_279 : i32 to index
        %get3A_282 = tpu.vector_load %arg7[%get3A_280, %get3A_281] {strides = array<i32>} : memref<8x2048xf32, #tpu.memory_space<vmem>>, vector<16xf32>,
        %mul3A_283 = arith.constant 16 : i32
        %mul3A_284 = arith.muli %scan3A_276, %mul3A_283 : i32
        %add3A_285 = arith.constant 2048 : i32
        %add3A_286 = arith.addi %add3A_285, %mul3A_284 : i32
        %get3A_287 = arith.constant 6 : i32
        %get3A_288 = arith.index_cast %get3A_287 : i32 to index
        %get3A_289 = arith.index_cast %add3A_286 : i32 to index
        %get3A_290 = tpu.vector_load %arg5[%get3A_288, %get3A_289] {strides = array<i32>} : memref<16x4096xf32, #tpu.memory_space<vmem>>, vector<16xf32>,
        %mul3A_291 = arith.mulf %get3A_282, %get3A_290 : vector<16xf32>
        %add3A_292 = arith.addf %scan3A_277, %mul3A_291 : vector<16xf32>
        scf.yield %add3A_292 : vector<16xf32>
      }
      %scan3A_143 = arith.constant 128 : i32
      %scan3A_144 = arith.constant 0 : i32
      %scan3A_145 = arith.constant 128 : i32
      %scan3A_146 = arith.addi %scan3A_144, %scan3A_145 : i32
      %scan3A_147 = arith.constant 1 : i32
      %scan3A_148 = scf.for %scan3A_276 = %scan3A_144 to %scan3A_146 step %scan3A_147 iter_args(%scan3A_277 = %scan3A_142) -> (vector<16xf32>)  : i32 {
        %mul3A_278 = arith.constant 16 : i32
        %mul3A_279 = arith.muli %scan3A_276, %mul3A_278 : i32
        %get3A = arith.constant 7 : i32
        %get3A_280 = arith.index_cast %get3A : i32 to index
        %get3A_281 = arith.index_cast %mul3A_279 : i32 to index
        %get3A_282 = tpu.vector_load %arg7[%get3A_280, %get3A_281] {strides = array<i32>} : memref<8x2048xf32, #tpu.memory_space<vmem>>, vector<16xf32>,
        %mul3A_283 = arith.constant 16 : i32
        %mul3A_284 = arith.muli %scan3A_276, %mul3A_283 : i32
        %add3A_285 = arith.constant 2048 : i32
        %add3A_286 = arith.addi %add3A_285, %mul3A_284 : i32
        %get3A_287 = arith.constant 7 : i32
        %get3A_288 = arith.index_cast %get3A_287 : i32 to index
        %get3A_289 = arith.index_cast %add3A_286 : i32 to index
        %get3A_290 = tpu.vector_load %arg5[%get3A_288, %get3A_289] {strides = array<i32>} : memref<16x4096xf32, #tpu.memory_space<vmem>>, vector<16xf32>,
        %mul3A_291 = arith.mulf %get3A_282, %get3A_290 : vector<16xf32>
        %add3A_292 = arith.addf %scan3A_277, %mul3A_291 : vector<16xf32>
        scf.yield %add3A_292 : vector<16xf32>
      }
      %scan3A_149 = arith.constant 128 : i32
      %dma_start3A_150 = arith.constant 8 : i32
      %dma_start3A_151 = arith.constant 2048 : i32
      %dma_start3A_152 = tpu.memref_slice %arg2[%add3A_14, %dma_start3A_150, %dma_start3A_151] : memref<1024x16x4096xf32, #tpu.memory_space<hbm>> -> memref<1x8x2048xf32, #tpu.memory_space<hbm>>
      %dma_start3A_153 = tpu.memref_squeeze %dma_start3A_152 : memref<1x8x2048xf32, #tpu.memory_space<hbm>> -> memref<8x2048xf32, #tpu.memory_space<hbm>>
      %dma_start3A_154 = arith.constant 8 : i32
      %dma_start3A_155 = arith.constant 2048 : i32
      %dma_start3A_156 = tpu.memref_slice %arg2[%add3A_14, %dma_start3A_154, %dma_start3A_155] : memref<1024x16x4096xf32, #tpu.memory_space<hbm>> -> memref<1x8x2048xf32, #tpu.memory_space<hbm>>
      %dma_start3A_157 = tpu.memref_squeeze %dma_start3A_156 : memref<1x8x2048xf32, #tpu.memory_space<hbm>> -> memref<8x2048xf32, #tpu.memory_space<hbm>>
      tpu.enqueue_dma source(%dma_start3A_157 : memref<8x2048xf32, #tpu.memory_space<hbm>>) target(%arg7 : memref<8x2048xf32, #tpu.memory_space<vmem>>) target_semaphore(%arg10 : memref<!tpu.dma_semaphore, #tpu.memory_space<semaphore_mem>>)
      %dma_wait3A_158 = arith.constant 8 : i32
      %dma_wait3A_159 = arith.constant 0 : i32
      %dma_wait3A_160 = tpu.memref_slice %arg2[%add3A_14, %dma_wait3A_158, %dma_wait3A_159] : memref<1024x16x4096xf32, #tpu.memory_space<hbm>> -> memref<1x8x2048xf32, #tpu.memory_space<hbm>>
      %dma_wait3A_161 = tpu.memref_squeeze %dma_wait3A_160 : memref<1x8x2048xf32, #tpu.memory_space<hbm>> -> memref<8x2048xf32, #tpu.memory_space<hbm>>
      %dma_wait3A_162 = arith.constant 8 : i32
      %dma_wait3A_163 = arith.constant 0 : i32
      %dma_wait3A_164 = tpu.memref_slice %arg2[%add3A_14, %dma_wait3A_162, %dma_wait3A_163] : memref<1024x16x4096xf32, #tpu.memory_space<hbm>> -> memref<1x8x2048xf32, #tpu.memory_space<hbm>>
      %dma_wait3A_165 = tpu.memref_squeeze %dma_wait3A_164 : memref<1x8x2048xf32, #tpu.memory_space<hbm>> -> memref<8x2048xf32, #tpu.memory_space<hbm>>
      tpu.wait_dma2 semaphore(%arg9 : memref<!tpu.dma_semaphore, #tpu.memory_space<semaphore_mem>>) src(%dma_wait3A_165 : memref<8x2048xf32, #tpu.memory_space<hbm>>) dst(%arg6 : memref<8x2048xf32, #tpu.memory_space<vmem>>)
      %scan3A_166 = arith.constant 0 : i32
      %scan3A_167 = arith.constant 128 : i32
      %scan3A_168 = arith.addi %scan3A_166, %scan3A_167 : i32
      %scan3A_169 = arith.constant 1 : i32
      %scan3A_170 = scf.for %scan3A_276 = %scan3A_166 to %scan3A_168 step %scan3A_169 iter_args(%scan3A_277 = %scan3A_148) -> (vector<16xf32>)  : i32 {
        %mul3A_278 = arith.constant 16 : i32
        %mul3A_279 = arith.muli %scan3A_276, %mul3A_278 : i32
        %get3A = arith.constant 0 : i32
        %get3A_280 = arith.index_cast %get3A : i32 to index
        %get3A_281 = arith.index_cast %mul3A_279 : i32 to index
        %get3A_282 = tpu.vector_load %arg6[%get3A_280, %get3A_281] {strides = array<i32>} : memref<8x2048xf32, #tpu.memory_space<vmem>>, vector<16xf32>,
        %mul3A_283 = arith.constant 16 : i32
        %mul3A_284 = arith.muli %scan3A_276, %mul3A_283 : i32
        %add3A_285 = arith.constant 0 : i32
        %add3A_286 = arith.addi %add3A_285, %mul3A_284 : i32
        %get3A_287 = arith.constant 8 : i32
        %get3A_288 = arith.index_cast %get3A_287 : i32 to index
        %get3A_289 = arith.index_cast %add3A_286 : i32 to index
        %get3A_290 = tpu.vector_load %arg5[%get3A_288, %get3A_289] {strides = array<i32>} : memref<16x4096xf32, #tpu.memory_space<vmem>>, vector<16xf32>,
        %mul3A_291 = arith.mulf %get3A_282, %get3A_290 : vector<16xf32>
        %add3A_292 = arith.addf %scan3A_277, %mul3A_291 : vector<16xf32>
        scf.yield %add3A_292 : vector<16xf32>
      }
      %scan3A_171 = arith.constant 128 : i32
      %scan3A_172 = arith.constant 0 : i32
      %scan3A_173 = arith.constant 128 : i32
      %scan3A_174 = arith.addi %scan3A_172, %scan3A_173 : i32
      %scan3A_175 = arith.constant 1 : i32
      %scan3A_176 = scf.for %scan3A_276 = %scan3A_172 to %scan3A_174 step %scan3A_175 iter_args(%scan3A_277 = %scan3A_170) -> (vector<16xf32>)  : i32 {
        %mul3A_278 = arith.constant 16 : i32
        %mul3A_279 = arith.muli %scan3A_276, %mul3A_278 : i32
        %get3A = arith.constant 1 : i32
        %get3A_280 = arith.index_cast %get3A : i32 to index
        %get3A_281 = arith.index_cast %mul3A_279 : i32 to index
        %get3A_282 = tpu.vector_load %arg6[%get3A_280, %get3A_281] {strides = array<i32>} : memref<8x2048xf32, #tpu.memory_space<vmem>>, vector<16xf32>,
        %mul3A_283 = arith.constant 16 : i32
        %mul3A_284 = arith.muli %scan3A_276, %mul3A_283 : i32
        %add3A_285 = arith.constant 0 : i32
        %add3A_286 = arith.addi %add3A_285, %mul3A_284 : i32
        %get3A_287 = arith.constant 9 : i32
        %get3A_288 = arith.index_cast %get3A_287 : i32 to index
        %get3A_289 = arith.index_cast %add3A_286 : i32 to index
        %get3A_290 = tpu.vector_load %arg5[%get3A_288, %get3A_289] {strides = array<i32>} : memref<16x4096xf32, #tpu.memory_space<vmem>>, vector<16xf32>,
        %mul3A_291 = arith.mulf %get3A_282, %get3A_290 : vector<16xf32>
        %add3A_292 = arith.addf %scan3A_277, %mul3A_291 : vector<16xf32>
        scf.yield %add3A_292 : vector<16xf32>
      }
      %scan3A_177 = arith.constant 128 : i32
      %scan3A_178 = arith.constant 0 : i32
      %scan3A_179 = arith.constant 128 : i32
      %scan3A_180 = arith.addi %scan3A_178, %scan3A_179 : i32
      %scan3A_181 = arith.constant 1 : i32
      %scan3A_182 = scf.for %scan3A_276 = %scan3A_178 to %scan3A_180 step %scan3A_181 iter_args(%scan3A_277 = %scan3A_176) -> (vector<16xf32>)  : i32 {
        %mul3A_278 = arith.constant 16 : i32
        %mul3A_279 = arith.muli %scan3A_276, %mul3A_278 : i32
        %get3A = arith.constant 2 : i32
        %get3A_280 = arith.index_cast %get3A : i32 to index
        %get3A_281 = arith.index_cast %mul3A_279 : i32 to index
        %get3A_282 = tpu.vector_load %arg6[%get3A_280, %get3A_281] {strides = array<i32>} : memref<8x2048xf32, #tpu.memory_space<vmem>>, vector<16xf32>,
        %mul3A_283 = arith.constant 16 : i32
        %mul3A_284 = arith.muli %scan3A_276, %mul3A_283 : i32
        %add3A_285 = arith.constant 0 : i32
        %add3A_286 = arith.addi %add3A_285, %mul3A_284 : i32
        %get3A_287 = arith.constant 10 : i32
        %get3A_288 = arith.index_cast %get3A_287 : i32 to index
        %get3A_289 = arith.index_cast %add3A_286 : i32 to index
        %get3A_290 = tpu.vector_load %arg5[%get3A_288, %get3A_289] {strides = array<i32>} : memref<16x4096xf32, #tpu.memory_space<vmem>>, vector<16xf32>,
        %mul3A_291 = arith.mulf %get3A_282, %get3A_290 : vector<16xf32>
        %add3A_292 = arith.addf %scan3A_277, %mul3A_291 : vector<16xf32>
        scf.yield %add3A_292 : vector<16xf32>
      }
      %scan3A_183 = arith.constant 128 : i32
      %scan3A_184 = arith.constant 0 : i32
      %scan3A_185 = arith.constant 128 : i32
      %scan3A_186 = arith.addi %scan3A_184, %scan3A_185 : i32
      %scan3A_187 = arith.constant 1 : i32
      %scan3A_188 = scf.for %scan3A_276 = %scan3A_184 to %scan3A_186 step %scan3A_187 iter_args(%scan3A_277 = %scan3A_182) -> (vector<16xf32>)  : i32 {
        %mul3A_278 = arith.constant 16 : i32
        %mul3A_279 = arith.muli %scan3A_276, %mul3A_278 : i32
        %get3A = arith.constant 3 : i32
        %get3A_280 = arith.index_cast %get3A : i32 to index
        %get3A_281 = arith.index_cast %mul3A_279 : i32 to index
        %get3A_282 = tpu.vector_load %arg6[%get3A_280, %get3A_281] {strides = array<i32>} : memref<8x2048xf32, #tpu.memory_space<vmem>>, vector<16xf32>,
        %mul3A_283 = arith.constant 16 : i32
        %mul3A_284 = arith.muli %scan3A_276, %mul3A_283 : i32
        %add3A_285 = arith.constant 0 : i32
        %add3A_286 = arith.addi %add3A_285, %mul3A_284 : i32
        %get3A_287 = arith.constant 11 : i32
        %get3A_288 = arith.index_cast %get3A_287 : i32 to index
        %get3A_289 = arith.index_cast %add3A_286 : i32 to index
        %get3A_290 = tpu.vector_load %arg5[%get3A_288, %get3A_289] {strides = array<i32>} : memref<16x4096xf32, #tpu.memory_space<vmem>>, vector<16xf32>,
        %mul3A_291 = arith.mulf %get3A_282, %get3A_290 : vector<16xf32>
        %add3A_292 = arith.addf %scan3A_277, %mul3A_291 : vector<16xf32>
        scf.yield %add3A_292 : vector<16xf32>
      }
      %scan3A_189 = arith.constant 128 : i32
      %scan3A_190 = arith.constant 0 : i32
      %scan3A_191 = arith.constant 128 : i32
      %scan3A_192 = arith.addi %scan3A_190, %scan3A_191 : i32
      %scan3A_193 = arith.constant 1 : i32
      %scan3A_194 = scf.for %scan3A_276 = %scan3A_190 to %scan3A_192 step %scan3A_193 iter_args(%scan3A_277 = %scan3A_188) -> (vector<16xf32>)  : i32 {
        %mul3A_278 = arith.constant 16 : i32
        %mul3A_279 = arith.muli %scan3A_276, %mul3A_278 : i32
        %get3A = arith.constant 4 : i32
        %get3A_280 = arith.index_cast %get3A : i32 to index
        %get3A_281 = arith.index_cast %mul3A_279 : i32 to index
        %get3A_282 = tpu.vector_load %arg6[%get3A_280, %get3A_281] {strides = array<i32>} : memref<8x2048xf32, #tpu.memory_space<vmem>>, vector<16xf32>,
        %mul3A_283 = arith.constant 16 : i32
        %mul3A_284 = arith.muli %scan3A_276, %mul3A_283 : i32
        %add3A_285 = arith.constant 0 : i32
        %add3A_286 = arith.addi %add3A_285, %mul3A_284 : i32
        %get3A_287 = arith.constant 12 : i32
        %get3A_288 = arith.index_cast %get3A_287 : i32 to index
        %get3A_289 = arith.index_cast %add3A_286 : i32 to index
        %get3A_290 = tpu.vector_load %arg5[%get3A_288, %get3A_289] {strides = array<i32>} : memref<16x4096xf32, #tpu.memory_space<vmem>>, vector<16xf32>,
        %mul3A_291 = arith.mulf %get3A_282, %get3A_290 : vector<16xf32>
        %add3A_292 = arith.addf %scan3A_277, %mul3A_291 : vector<16xf32>
        scf.yield %add3A_292 : vector<16xf32>
      }
      %scan3A_195 = arith.constant 128 : i32
      %scan3A_196 = arith.constant 0 : i32
      %scan3A_197 = arith.constant 128 : i32
      %scan3A_198 = arith.addi %scan3A_196, %scan3A_197 : i32
      %scan3A_199 = arith.constant 1 : i32
      %scan3A_200 = scf.for %scan3A_276 = %scan3A_196 to %scan3A_198 step %scan3A_199 iter_args(%scan3A_277 = %scan3A_194) -> (vector<16xf32>)  : i32 {
        %mul3A_278 = arith.constant 16 : i32
        %mul3A_279 = arith.muli %scan3A_276, %mul3A_278 : i32
        %get3A = arith.constant 5 : i32
        %get3A_280 = arith.index_cast %get3A : i32 to index
        %get3A_281 = arith.index_cast %mul3A_279 : i32 to index
        %get3A_282 = tpu.vector_load %arg6[%get3A_280, %get3A_281] {strides = array<i32>} : memref<8x2048xf32, #tpu.memory_space<vmem>>, vector<16xf32>,
        %mul3A_283 = arith.constant 16 : i32
        %mul3A_284 = arith.muli %scan3A_276, %mul3A_283 : i32
        %add3A_285 = arith.constant 0 : i32
        %add3A_286 = arith.addi %add3A_285, %mul3A_284 : i32
        %get3A_287 = arith.constant 13 : i32
        %get3A_288 = arith.index_cast %get3A_287 : i32 to index
        %get3A_289 = arith.index_cast %add3A_286 : i32 to index
        %get3A_290 = tpu.vector_load %arg5[%get3A_288, %get3A_289] {strides = array<i32>} : memref<16x4096xf32, #tpu.memory_space<vmem>>, vector<16xf32>,
        %mul3A_291 = arith.mulf %get3A_282, %get3A_290 : vector<16xf32>
        %add3A_292 = arith.addf %scan3A_277, %mul3A_291 : vector<16xf32>
        scf.yield %add3A_292 : vector<16xf32>
      }
      %scan3A_201 = arith.constant 128 : i32
      %scan3A_202 = arith.constant 0 : i32
      %scan3A_203 = arith.constant 128 : i32
      %scan3A_204 = arith.addi %scan3A_202, %scan3A_203 : i32
      %scan3A_205 = arith.constant 1 : i32
      %scan3A_206 = scf.for %scan3A_276 = %scan3A_202 to %scan3A_204 step %scan3A_205 iter_args(%scan3A_277 = %scan3A_200) -> (vector<16xf32>)  : i32 {
        %mul3A_278 = arith.constant 16 : i32
        %mul3A_279 = arith.muli %scan3A_276, %mul3A_278 : i32
        %get3A = arith.constant 6 : i32
        %get3A_280 = arith.index_cast %get3A : i32 to index
        %get3A_281 = arith.index_cast %mul3A_279 : i32 to index
        %get3A_282 = tpu.vector_load %arg6[%get3A_280, %get3A_281] {strides = array<i32>} : memref<8x2048xf32, #tpu.memory_space<vmem>>, vector<16xf32>,
        %mul3A_283 = arith.constant 16 : i32
        %mul3A_284 = arith.muli %scan3A_276, %mul3A_283 : i32
        %add3A_285 = arith.constant 0 : i32
        %add3A_286 = arith.addi %add3A_285, %mul3A_284 : i32
        %get3A_287 = arith.constant 14 : i32
        %get3A_288 = arith.index_cast %get3A_287 : i32 to index
        %get3A_289 = arith.index_cast %add3A_286 : i32 to index
        %get3A_290 = tpu.vector_load %arg5[%get3A_288, %get3A_289] {strides = array<i32>} : memref<16x4096xf32, #tpu.memory_space<vmem>>, vector<16xf32>,
        %mul3A_291 = arith.mulf %get3A_282, %get3A_290 : vector<16xf32>
        %add3A_292 = arith.addf %scan3A_277, %mul3A_291 : vector<16xf32>
        scf.yield %add3A_292 : vector<16xf32>
      }
      %scan3A_207 = arith.constant 128 : i32
      %scan3A_208 = arith.constant 0 : i32
      %scan3A_209 = arith.constant 128 : i32
      %scan3A_210 = arith.addi %scan3A_208, %scan3A_209 : i32
      %scan3A_211 = arith.constant 1 : i32
      %scan3A_212 = scf.for %scan3A_276 = %scan3A_208 to %scan3A_210 step %scan3A_211 iter_args(%scan3A_277 = %scan3A_206) -> (vector<16xf32>)  : i32 {
        %mul3A_278 = arith.constant 16 : i32
        %mul3A_279 = arith.muli %scan3A_276, %mul3A_278 : i32
        %get3A = arith.constant 7 : i32
        %get3A_280 = arith.index_cast %get3A : i32 to index
        %get3A_281 = arith.index_cast %mul3A_279 : i32 to index
        %get3A_282 = tpu.vector_load %arg6[%get3A_280, %get3A_281] {strides = array<i32>} : memref<8x2048xf32, #tpu.memory_space<vmem>>, vector<16xf32>,
        %mul3A_283 = arith.constant 16 : i32
        %mul3A_284 = arith.muli %scan3A_276, %mul3A_283 : i32
        %add3A_285 = arith.constant 0 : i32
        %add3A_286 = arith.addi %add3A_285, %mul3A_284 : i32
        %get3A_287 = arith.constant 15 : i32
        %get3A_288 = arith.index_cast %get3A_287 : i32 to index
        %get3A_289 = arith.index_cast %add3A_286 : i32 to index
        %get3A_290 = tpu.vector_load %arg5[%get3A_288, %get3A_289] {strides = array<i32>} : memref<16x4096xf32, #tpu.memory_space<vmem>>, vector<16xf32>,
        %mul3A_291 = arith.mulf %get3A_282, %get3A_290 : vector<16xf32>
        %add3A_292 = arith.addf %scan3A_277, %mul3A_291 : vector<16xf32>
        scf.yield %add3A_292 : vector<16xf32>
      }
      %scan3A_213 = arith.constant 128 : i32
      %dma_wait3A_214 = arith.constant 8 : i32
      %dma_wait3A_215 = arith.constant 2048 : i32
      %dma_wait3A_216 = tpu.memref_slice %arg2[%add3A_14, %dma_wait3A_214, %dma_wait3A_215] : memref<1024x16x4096xf32, #tpu.memory_space<hbm>> -> memref<1x8x2048xf32, #tpu.memory_space<hbm>>
      %dma_wait3A_217 = tpu.memref_squeeze %dma_wait3A_216 : memref<1x8x2048xf32, #tpu.memory_space<hbm>> -> memref<8x2048xf32, #tpu.memory_space<hbm>>
      %dma_wait3A_218 = arith.constant 8 : i32
      %dma_wait3A_219 = arith.constant 2048 : i32
      %dma_wait3A_220 = tpu.memref_slice %arg2[%add3A_14, %dma_wait3A_218, %dma_wait3A_219] : memref<1024x16x4096xf32, #tpu.memory_space<hbm>> -> memref<1x8x2048xf32, #tpu.memory_space<hbm>>
      %dma_wait3A_221 = tpu.memref_squeeze %dma_wait3A_220 : memref<1x8x2048xf32, #tpu.memory_space<hbm>> -> memref<8x2048xf32, #tpu.memory_space<hbm>>
      tpu.wait_dma2 semaphore(%arg10 : memref<!tpu.dma_semaphore, #tpu.memory_space<semaphore_mem>>) src(%dma_wait3A_221 : memref<8x2048xf32, #tpu.memory_space<hbm>>) dst(%arg7 : memref<8x2048xf32, #tpu.memory_space<vmem>>)
      %scan3A_222 = arith.constant 0 : i32
      %scan3A_223 = arith.constant 128 : i32
      %scan3A_224 = arith.addi %scan3A_222, %scan3A_223 : i32
      %scan3A_225 = arith.constant 1 : i32
      %scan3A_226 = scf.for %scan3A_276 = %scan3A_222 to %scan3A_224 step %scan3A_225 iter_args(%scan3A_277 = %scan3A_212) -> (vector<16xf32>)  : i32 {
        %mul3A_278 = arith.constant 16 : i32
        %mul3A_279 = arith.muli %scan3A_276, %mul3A_278 : i32
        %get3A = arith.constant 0 : i32
        %get3A_280 = arith.index_cast %get3A : i32 to index
        %get3A_281 = arith.index_cast %mul3A_279 : i32 to index
        %get3A_282 = tpu.vector_load %arg7[%get3A_280, %get3A_281] {strides = array<i32>} : memref<8x2048xf32, #tpu.memory_space<vmem>>, vector<16xf32>,
        %mul3A_283 = arith.constant 16 : i32
        %mul3A_284 = arith.muli %scan3A_276, %mul3A_283 : i32
        %add3A_285 = arith.constant 2048 : i32
        %add3A_286 = arith.addi %add3A_285, %mul3A_284 : i32
        %get3A_287 = arith.constant 8 : i32
        %get3A_288 = arith.index_cast %get3A_287 : i32 to index
        %get3A_289 = arith.index_cast %add3A_286 : i32 to index
        %get3A_290 = tpu.vector_load %arg5[%get3A_288, %get3A_289] {strides = array<i32>} : memref<16x4096xf32, #tpu.memory_space<vmem>>, vector<16xf32>,
        %mul3A_291 = arith.mulf %get3A_282, %get3A_290 : vector<16xf32>
        %add3A_292 = arith.addf %scan3A_277, %mul3A_291 : vector<16xf32>
        scf.yield %add3A_292 : vector<16xf32>
      }
      %scan3A_227 = arith.constant 128 : i32
      %scan3A_228 = arith.constant 0 : i32
      %scan3A_229 = arith.constant 128 : i32
      %scan3A_230 = arith.addi %scan3A_228, %scan3A_229 : i32
      %scan3A_231 = arith.constant 1 : i32
      %scan3A_232 = scf.for %scan3A_276 = %scan3A_228 to %scan3A_230 step %scan3A_231 iter_args(%scan3A_277 = %scan3A_226) -> (vector<16xf32>)  : i32 {
        %mul3A_278 = arith.constant 16 : i32
        %mul3A_279 = arith.muli %scan3A_276, %mul3A_278 : i32
        %get3A = arith.constant 1 : i32
        %get3A_280 = arith.index_cast %get3A : i32 to index
        %get3A_281 = arith.index_cast %mul3A_279 : i32 to index
        %get3A_282 = tpu.vector_load %arg7[%get3A_280, %get3A_281] {strides = array<i32>} : memref<8x2048xf32, #tpu.memory_space<vmem>>, vector<16xf32>,
        %mul3A_283 = arith.constant 16 : i32
        %mul3A_284 = arith.muli %scan3A_276, %mul3A_283 : i32
        %add3A_285 = arith.constant 2048 : i32
        %add3A_286 = arith.addi %add3A_285, %mul3A_284 : i32
        %get3A_287 = arith.constant 9 : i32
        %get3A_288 = arith.index_cast %get3A_287 : i32 to index
        %get3A_289 = arith.index_cast %add3A_286 : i32 to index
        %get3A_290 = tpu.vector_load %arg5[%get3A_288, %get3A_289] {strides = array<i32>} : memref<16x4096xf32, #tpu.memory_space<vmem>>, vector<16xf32>,
        %mul3A_291 = arith.mulf %get3A_282, %get3A_290 : vector<16xf32>
        %add3A_292 = arith.addf %scan3A_277, %mul3A_291 : vector<16xf32>
        scf.yield %add3A_292 : vector<16xf32>
      }
      %scan3A_233 = arith.constant 128 : i32
      %scan3A_234 = arith.constant 0 : i32
      %scan3A_235 = arith.constant 128 : i32
      %scan3A_236 = arith.addi %scan3A_234, %scan3A_235 : i32
      %scan3A_237 = arith.constant 1 : i32
      %scan3A_238 = scf.for %scan3A_276 = %scan3A_234 to %scan3A_236 step %scan3A_237 iter_args(%scan3A_277 = %scan3A_232) -> (vector<16xf32>)  : i32 {
        %mul3A_278 = arith.constant 16 : i32
        %mul3A_279 = arith.muli %scan3A_276, %mul3A_278 : i32
        %get3A = arith.constant 2 : i32
        %get3A_280 = arith.index_cast %get3A : i32 to index
        %get3A_281 = arith.index_cast %mul3A_279 : i32 to index
        %get3A_282 = tpu.vector_load %arg7[%get3A_280, %get3A_281] {strides = array<i32>} : memref<8x2048xf32, #tpu.memory_space<vmem>>, vector<16xf32>,
        %mul3A_283 = arith.constant 16 : i32
        %mul3A_284 = arith.muli %scan3A_276, %mul3A_283 : i32
        %add3A_285 = arith.constant 2048 : i32
        %add3A_286 = arith.addi %add3A_285, %mul3A_284 : i32
        %get3A_287 = arith.constant 10 : i32
        %get3A_288 = arith.index_cast %get3A_287 : i32 to index
        %get3A_289 = arith.index_cast %add3A_286 : i32 to index
        %get3A_290 = tpu.vector_load %arg5[%get3A_288, %get3A_289] {strides = array<i32>} : memref<16x4096xf32, #tpu.memory_space<vmem>>, vector<16xf32>,
        %mul3A_291 = arith.mulf %get3A_282, %get3A_290 : vector<16xf32>
        %add3A_292 = arith.addf %scan3A_277, %mul3A_291 : vector<16xf32>
        scf.yield %add3A_292 : vector<16xf32>
      }
      %scan3A_239 = arith.constant 128 : i32
      %scan3A_240 = arith.constant 0 : i32
      %scan3A_241 = arith.constant 128 : i32
      %scan3A_242 = arith.addi %scan3A_240, %scan3A_241 : i32
      %scan3A_243 = arith.constant 1 : i32
      %scan3A_244 = scf.for %scan3A_276 = %scan3A_240 to %scan3A_242 step %scan3A_243 iter_args(%scan3A_277 = %scan3A_238) -> (vector<16xf32>)  : i32 {
        %mul3A_278 = arith.constant 16 : i32
        %mul3A_279 = arith.muli %scan3A_276, %mul3A_278 : i32
        %get3A = arith.constant 3 : i32
        %get3A_280 = arith.index_cast %get3A : i32 to index
        %get3A_281 = arith.index_cast %mul3A_279 : i32 to index
        %get3A_282 = tpu.vector_load %arg7[%get3A_280, %get3A_281] {strides = array<i32>} : memref<8x2048xf32, #tpu.memory_space<vmem>>, vector<16xf32>,
        %mul3A_283 = arith.constant 16 : i32
        %mul3A_284 = arith.muli %scan3A_276, %mul3A_283 : i32
        %add3A_285 = arith.constant 2048 : i32
        %add3A_286 = arith.addi %add3A_285, %mul3A_284 : i32
        %get3A_287 = arith.constant 11 : i32
        %get3A_288 = arith.index_cast %get3A_287 : i32 to index
        %get3A_289 = arith.index_cast %add3A_286 : i32 to index
        %get3A_290 = tpu.vector_load %arg5[%get3A_288, %get3A_289] {strides = array<i32>} : memref<16x4096xf32, #tpu.memory_space<vmem>>, vector<16xf32>,
        %mul3A_291 = arith.mulf %get3A_282, %get3A_290 : vector<16xf32>
        %add3A_292 = arith.addf %scan3A_277, %mul3A_291 : vector<16xf32>
        scf.yield %add3A_292 : vector<16xf32>
      }
      %scan3A_245 = arith.constant 128 : i32
      %scan3A_246 = arith.constant 0 : i32
      %scan3A_247 = arith.constant 128 : i32
      %scan3A_248 = arith.addi %scan3A_246, %scan3A_247 : i32
      %scan3A_249 = arith.constant 1 : i32
      %scan3A_250 = scf.for %scan3A_276 = %scan3A_246 to %scan3A_248 step %scan3A_249 iter_args(%scan3A_277 = %scan3A_244) -> (vector<16xf32>)  : i32 {
        %mul3A_278 = arith.constant 16 : i32
        %mul3A_279 = arith.muli %scan3A_276, %mul3A_278 : i32
        %get3A = arith.constant 4 : i32
        %get3A_280 = arith.index_cast %get3A : i32 to index
        %get3A_281 = arith.index_cast %mul3A_279 : i32 to index
        %get3A_282 = tpu.vector_load %arg7[%get3A_280, %get3A_281] {strides = array<i32>} : memref<8x2048xf32, #tpu.memory_space<vmem>>, vector<16xf32>,
        %mul3A_283 = arith.constant 16 : i32
        %mul3A_284 = arith.muli %scan3A_276, %mul3A_283 : i32
        %add3A_285 = arith.constant 2048 : i32
        %add3A_286 = arith.addi %add3A_285, %mul3A_284 : i32
        %get3A_287 = arith.constant 12 : i32
        %get3A_288 = arith.index_cast %get3A_287 : i32 to index
        %get3A_289 = arith.index_cast %add3A_286 : i32 to index
        %get3A_290 = tpu.vector_load %arg5[%get3A_288, %get3A_289] {strides = array<i32>} : memref<16x4096xf32, #tpu.memory_space<vmem>>, vector<16xf32>,
        %mul3A_291 = arith.mulf %get3A_282, %get3A_290 : vector<16xf32>
        %add3A_292 = arith.addf %scan3A_277, %mul3A_291 : vector<16xf32>
        scf.yield %add3A_292 : vector<16xf32>
      }
      %scan3A_251 = arith.constant 128 : i32
      %scan3A_252 = arith.constant 0 : i32
      %scan3A_253 = arith.constant 128 : i32
      %scan3A_254 = arith.addi %scan3A_252, %scan3A_253 : i32
      %scan3A_255 = arith.constant 1 : i32
      %scan3A_256 = scf.for %scan3A_276 = %scan3A_252 to %scan3A_254 step %scan3A_255 iter_args(%scan3A_277 = %scan3A_250) -> (vector<16xf32>)  : i32 {
        %mul3A_278 = arith.constant 16 : i32
        %mul3A_279 = arith.muli %scan3A_276, %mul3A_278 : i32
        %get3A = arith.constant 5 : i32
        %get3A_280 = arith.index_cast %get3A : i32 to index
        %get3A_281 = arith.index_cast %mul3A_279 : i32 to index
        %get3A_282 = tpu.vector_load %arg7[%get3A_280, %get3A_281] {strides = array<i32>} : memref<8x2048xf32, #tpu.memory_space<vmem>>, vector<16xf32>,
        %mul3A_283 = arith.constant 16 : i32
        %mul3A_284 = arith.muli %scan3A_276, %mul3A_283 : i32
        %add3A_285 = arith.constant 2048 : i32
        %add3A_286 = arith.addi %add3A_285, %mul3A_284 : i32
        %get3A_287 = arith.constant 13 : i32
        %get3A_288 = arith.index_cast %get3A_287 : i32 to index
        %get3A_289 = arith.index_cast %add3A_286 : i32 to index
        %get3A_290 = tpu.vector_load %arg5[%get3A_288, %get3A_289] {strides = array<i32>} : memref<16x4096xf32, #tpu.memory_space<vmem>>, vector<16xf32>,
        %mul3A_291 = arith.mulf %get3A_282, %get3A_290 : vector<16xf32>
        %add3A_292 = arith.addf %scan3A_277, %mul3A_291 : vector<16xf32>
        scf.yield %add3A_292 : vector<16xf32>
      }
      %scan3A_257 = arith.constant 128 : i32
      %scan3A_258 = arith.constant 0 : i32
      %scan3A_259 = arith.constant 128 : i32
      %scan3A_260 = arith.addi %scan3A_258, %scan3A_259 : i32
      %scan3A_261 = arith.constant 1 : i32
      %scan3A_262 = scf.for %scan3A_276 = %scan3A_258 to %scan3A_260 step %scan3A_261 iter_args(%scan3A_277 = %scan3A_256) -> (vector<16xf32>)  : i32 {
        %mul3A_278 = arith.constant 16 : i32
        %mul3A_279 = arith.muli %scan3A_276, %mul3A_278 : i32
        %get3A = arith.constant 6 : i32
        %get3A_280 = arith.index_cast %get3A : i32 to index
        %get3A_281 = arith.index_cast %mul3A_279 : i32 to index
        %get3A_282 = tpu.vector_load %arg7[%get3A_280, %get3A_281] {strides = array<i32>} : memref<8x2048xf32, #tpu.memory_space<vmem>>, vector<16xf32>,
        %mul3A_283 = arith.constant 16 : i32
        %mul3A_284 = arith.muli %scan3A_276, %mul3A_283 : i32
        %add3A_285 = arith.constant 2048 : i32
        %add3A_286 = arith.addi %add3A_285, %mul3A_284 : i32
        %get3A_287 = arith.constant 14 : i32
        %get3A_288 = arith.index_cast %get3A_287 : i32 to index
        %get3A_289 = arith.index_cast %add3A_286 : i32 to index
        %get3A_290 = tpu.vector_load %arg5[%get3A_288, %get3A_289] {strides = array<i32>} : memref<16x4096xf32, #tpu.memory_space<vmem>>, vector<16xf32>,
        %mul3A_291 = arith.mulf %get3A_282, %get3A_290 : vector<16xf32>
        %add3A_292 = arith.addf %scan3A_277, %mul3A_291 : vector<16xf32>
        scf.yield %add3A_292 : vector<16xf32>
      }
      %scan3A_263 = arith.constant 128 : i32
      %scan3A_264 = arith.constant 0 : i32
      %scan3A_265 = arith.constant 128 : i32
      %scan3A_266 = arith.addi %scan3A_264, %scan3A_265 : i32
      %scan3A_267 = arith.constant 1 : i32
      %scan3A_268 = scf.for %scan3A_276 = %scan3A_264 to %scan3A_266 step %scan3A_267 iter_args(%scan3A_277 = %scan3A_262) -> (vector<16xf32>)  : i32 {
        %mul3A_278 = arith.constant 16 : i32
        %mul3A_279 = arith.muli %scan3A_276, %mul3A_278 : i32
        %get3A = arith.constant 7 : i32
        %get3A_280 = arith.index_cast %get3A : i32 to index
        %get3A_281 = arith.index_cast %mul3A_279 : i32 to index
        %get3A_282 = tpu.vector_load %arg7[%get3A_280, %get3A_281] {strides = array<i32>} : memref<8x2048xf32, #tpu.memory_space<vmem>>, vector<16xf32>,
        %mul3A_283 = arith.constant 16 : i32
        %mul3A_284 = arith.muli %scan3A_276, %mul3A_283 : i32
        %add3A_285 = arith.constant 2048 : i32
        %add3A_286 = arith.addi %add3A_285, %mul3A_284 : i32
        %get3A_287 = arith.constant 15 : i32
        %get3A_288 = arith.index_cast %get3A_287 : i32 to index
        %get3A_289 = arith.index_cast %add3A_286 : i32 to index
        %get3A_290 = tpu.vector_load %arg5[%get3A_288, %get3A_289] {strides = array<i32>} : memref<16x4096xf32, #tpu.memory_space<vmem>>, vector<16xf32>,
        %mul3A_291 = arith.mulf %get3A_282, %get3A_290 : vector<16xf32>
        %add3A_292 = arith.addf %scan3A_277, %mul3A_291 : vector<16xf32>
        scf.yield %add3A_292 : vector<16xf32>
      }
      %scan3A_269 = arith.constant 128 : i32
      %reduce_sum3A = arith.constant true
      %reduce_sum3A_270 = vector.broadcast %reduce_sum3A : i1 to vector<16xi1>
      %reduce_sum3A_271 = tpu.scan <sum>, %scan3A_268 masked %reduce_sum3A_270 : vector<16xf32>, vector<16xi1> -> vector<16xf32>
      %reduce_sum3A_272 = vector.extract %reduce_sum3A_271[15] : f32 from vector<16xf32>
      %broadcast_in_dim3A_273 = vector.broadcast %reduce_sum3A_272 : f32 to vector<16xf32>
      %swap3A = arith.index_cast %add3A_13 : i32 to index
      %swap3A_274 = arith.constant 0 : index
      %swap3A_275 = tpu.vector_load %arg8[%swap3A, %swap3A_274] {strides = array<i32>} : memref<8x16xf32, #tpu.memory_space<vmem>>, vector<16xf32>,
      tpu.vector_store %arg8[%swap3A, %swap3A_274], %broadcast_in_dim3A_273 {strides = array<i32>} : memref<8x16xf32, #tpu.memory_space<vmem>>, vector<16xf32>,
    }
    %scan3A_8 = arith.constant 8 : i32
    "tpu.region"() ({
      %run_scoped3A = tpu.sem_alloc : memref<!tpu.dma_semaphore, #tpu.memory_space<semaphore_mem>>
      %dma_start3A = arith.constant 0 : i32
      %dma_start3A_9 = arith.constant 0 : i32
      %dma_start3A_10 = tpu.memref_slice %arg4[%add3A, %dma_start3A, %dma_start3A_9] : memref<32x8x16xf32, #tpu.memory_space<hbm>> -> memref<1x8x16xf32, #tpu.memory_space<hbm>>
      %dma_start3A_11 = tpu.memref_squeeze %dma_start3A_10 : memref<1x8x16xf32, #tpu.memory_space<hbm>> -> memref<8x16xf32, #tpu.memory_space<hbm>>
      %dma_start3A_12 = arith.constant 0 : i32
      %dma_start3A_13 = arith.constant 0 : i32
      %dma_start3A_14 = tpu.memref_slice %arg4[%add3A, %dma_start3A_12, %dma_start3A_13] : memref<32x8x16xf32, #tpu.memory_space<hbm>> -> memref<1x8x16xf32, #tpu.memory_space<hbm>>
      %dma_start3A_15 = tpu.memref_squeeze %dma_start3A_14 : memref<1x8x16xf32, #tpu.memory_space<hbm>> -> memref<8x16xf32, #tpu.memory_space<hbm>>
      tpu.enqueue_dma source(%arg8 : memref<8x16xf32, #tpu.memory_space<vmem>>) target(%dma_start3A_15 : memref<8x16xf32, #tpu.memory_space<hbm>>) target_semaphore(%run_scoped3A : memref<!tpu.dma_semaphore, #tpu.memory_space<semaphore_mem>>)
      %dma_wait3A = arith.constant 0 : i32
      %dma_wait3A_16 = arith.constant 0 : i32
      %dma_wait3A_17 = tpu.memref_slice %arg4[%add3A, %dma_wait3A, %dma_wait3A_16] : memref<32x8x16xf32, #tpu.memory_space<hbm>> -> memref<1x8x16xf32, #tpu.memory_space<hbm>>
      %dma_wait3A_18 = tpu.memref_squeeze %dma_wait3A_17 : memref<1x8x16xf32, #tpu.memory_space<hbm>> -> memref<8x16xf32, #tpu.memory_space<hbm>>
      %dma_wait3A_19 = arith.constant 0 : i32
      %dma_wait3A_20 = arith.constant 0 : i32
      %dma_wait3A_21 = tpu.memref_slice %arg4[%add3A, %dma_wait3A_19, %dma_wait3A_20] : memref<32x8x16xf32, #tpu.memory_space<hbm>> -> memref<1x8x16xf32, #tpu.memory_space<hbm>>
      %dma_wait3A_22 = tpu.memref_squeeze %dma_wait3A_21 : memref<1x8x16xf32, #tpu.memory_space<hbm>> -> memref<8x16xf32, #tpu.memory_space<hbm>>
      tpu.wait_dma2 semaphore(%run_scoped3A : memref<!tpu.dma_semaphore, #tpu.memory_space<semaphore_mem>>) src(%arg8 : memref<8x16xf32, #tpu.memory_space<vmem>>) dst(%dma_wait3A_22 : memref<8x16xf32, #tpu.memory_space<hbm>>)
      tpu.yield
    }) : () -> ()
    return
  }
}

module attributes {stable_mosaic.version = 14 : i64} {
  func.func @_sel_body(%arg0: memref<1x1xf32, #tpu.memory_space<vmem>>, %arg1: memref<256x1xf32, #tpu.memory_space<vmem>>, %arg2: memref<256x1xf32, #tpu.memory_space<vmem>>, %arg3: memref<256x1xf32, #tpu.memory_space<vmem>>) attributes {dimension_semantics = [], scalar_prefetch = 0 : i64, scratch_operands = 0 : i64, tpu.core_type = #tpu.core_type<tc>} {
    %get3A = arith.constant 0 : index
    %get3A_0 = arith.constant 0 : index
    %get3A_1 = vector.load %arg0[%get3A, %get3A_0] : memref<1x1xf32, #tpu.memory_space<vmem>>, vector<1x1xf32>
    %get3A_2 = vector.extract %get3A_1[0, 0] : f32 from vector<1x1xf32>
    %get3A_3 = arith.constant 0 : index
    %get3A_4 = arith.constant 0 : index
    %get3A_5 = vector.load %arg1[%get3A_3, %get3A_4] : memref<256x1xf32, #tpu.memory_space<vmem>>, vector<256x1xf32>
    %lt3A = arith.constant 0.000000e+00 : f32
    %lt3A_6 = vector.broadcast %lt3A : f32 to vector<256x1xf32>
    %lt3A_7 = arith.cmpf olt, %get3A_5, %lt3A_6 : vector<256x1xf32>
    %get3A_8 = arith.constant 0 : index
    %get3A_9 = arith.constant 0 : index
    %get3A_10 = vector.load %arg2[%get3A_8, %get3A_9] : memref<256x1xf32, #tpu.memory_space<vmem>>, vector<256x1xf32>
    %ge3A = arith.constant 1.000000e+00 : f32
    %ge3A_11 = vector.broadcast %ge3A : f32 to vector<256x1xf32>
    %ge3A_12 = arith.cmpf oge, %get3A_10, %ge3A_11 : vector<256x1xf32>
    %and3A = arith.andi %lt3A_7, %ge3A_12 : vector<256x1xi1>
    %broadcast_in_dim3A = vector.broadcast %get3A_2 : f32 to vector<256x1xf32>
    %select_n3A = arith.select %and3A, %broadcast_in_dim3A, %get3A_5 : vector<256x1xi1>, vector<256x1xf32>
    %swap3A = arith.constant 0 : index
    %swap3A_13 = arith.constant 0 : index
    %swap3A_14 = vector.load %arg3[%swap3A, %swap3A_13] : memref<256x1xf32, #tpu.memory_space<vmem>>, vector<256x1xf32>
    tpu.vector_store %arg3[%swap3A, %swap3A_13], %select_n3A {strides = array<i32>} : memref<256x1xf32, #tpu.memory_space<vmem>>, vector<256x1xf32>,
    return
  }
}

module attributes {stable_mosaic.version = 14 : i64} {
  func.func @_o_body(%arg0: memref<1x1xf32, #tpu.memory_space<vmem>>, %arg1: memref<1x4096xf32, #tpu.memory_space<vmem>>, %arg2: memref<16x1xf32, #tpu.memory_space<vmem>>, %arg3: memref<16x4096xf32, #tpu.memory_space<vmem>>) attributes {dimension_semantics = [], scalar_prefetch = 0 : i64, scratch_operands = 0 : i64, tpu.core_type = #tpu.core_type<tc>} {
    %get3A = arith.constant 0 : index
    %get3A_0 = arith.constant 0 : index
    %get3A_1 = vector.load %arg0[%get3A, %get3A_0] : memref<1x1xf32, #tpu.memory_space<vmem>>, vector<1x1xf32>
    %get3A_2 = vector.extract %get3A_1[0, 0] : f32 from vector<1x1xf32>
    %get3A_3 = arith.constant 0 : index
    %get3A_4 = arith.constant 0 : index
    %get3A_5 = vector.load %arg1[%get3A_3, %get3A_4] : memref<1x4096xf32, #tpu.memory_space<vmem>>, vector<1x4096xf32>
    %sub3A = vector.broadcast %get3A_2 : f32 to vector<1x4096xf32>
    %sub3A_6 = arith.subf %sub3A, %get3A_5 : vector<1x4096xf32>
    %get3A_7 = arith.constant 0 : index
    %get3A_8 = arith.constant 0 : index
    %get3A_9 = vector.load %arg2[%get3A_7, %get3A_8] : memref<16x1xf32, #tpu.memory_space<vmem>>, vector<16x1xf32>
    %sub3A_10 = vector.broadcast %sub3A_6 : vector<1x4096xf32> to vector<16x4096xf32>
    %sub3A_11 = vector.broadcast %get3A_9 : vector<16x1xf32> to vector<16x4096xf32>
    %sub3A_12 = arith.subf %sub3A_10, %sub3A_11 : vector<16x4096xf32>
    %ne3A = arith.constant -1.000000e+00 : f32
    %ne3A_13 = vector.broadcast %ne3A : f32 to vector<1x4096xf32>
    %ne3A_14 = arith.cmpf one, %get3A_5, %ne3A_13 : vector<1x4096xf32>
    %ge3A = arith.constant 0.000000e+00 : f32
    %ge3A_15 = vector.broadcast %ge3A : f32 to vector<16x4096xf32>
    %ge3A_16 = arith.cmpf oge, %sub3A_12, %ge3A_15 : vector<16x4096xf32>
    %and3A = vector.broadcast %ne3A_14 : vector<1x4096xi1> to vector<16x4096xi1>
    %and3A_17 = arith.andi %and3A, %ge3A_16 : vector<16x4096xi1>
    %div3A = arith.constant 5.000000e+00 : f32
    %div3A_18 = vector.broadcast %div3A : f32 to vector<16x4096xf32>
    %div3A_19 = arith.divf %sub3A_12, %div3A_18 : vector<16x4096xf32>
    %sub3A_20 = arith.constant 1.000000e+00 : f32
    %sub3A_21 = vector.broadcast %sub3A_20 : f32 to vector<16x4096xf32>
    %sub3A_22 = arith.subf %sub3A_21, %div3A_19 : vector<16x4096xf32>
    %exp3A = math.exp %sub3A_22 : vector<16x4096xf32>
    %mul3A = arith.mulf %sub3A_12, %exp3A : vector<16x4096xf32>
    %div3A_23 = arith.constant 5.000000e+00 : f32
    %div3A_24 = vector.broadcast %div3A_23 : f32 to vector<16x4096xf32>
    %div3A_25 = arith.divf %mul3A, %div3A_24 : vector<16x4096xf32>
    %jit3A = arith.constant 0.000000e+00 : f32
    %broadcast_in_dim3A = vector.broadcast %jit3A : f32 to vector<16x4096xf32>
    %select_n3A = arith.select %and3A_17, %div3A_25, %broadcast_in_dim3A : vector<16x4096xi1>, vector<16x4096xf32>
    %swap3A = arith.constant 0 : index
    %swap3A_26 = arith.constant 0 : index
    %swap3A_27 = vector.load %arg3[%swap3A, %swap3A_26] : memref<16x4096xf32, #tpu.memory_space<vmem>>, vector<16x4096xf32>
    tpu.vector_store %arg3[%swap3A, %swap3A_26], %select_n3A {strides = array<i32>} : memref<16x4096xf32, #tpu.memory_space<vmem>>, vector<16x4096xf32>,
    return
  }
}

module attributes {stable_mosaic.version = 14 : i64} {
  func.func @_tc_body(%arg0: i32, %arg1: memref<1x1xf32, #tpu.memory_space<vmem>>, %arg2: memref<32x1xf32, #tpu.memory_space<vmem>>, %arg3: memref<16x4096xf32, #tpu.memory_space<vmem>>, %arg4: memref<32x16x4096xf32, #tpu.memory_space<vmem>>, %arg5: memref<32x1xf32, #tpu.memory_space<vmem>>) attributes {dimension_semantics = [#tpu.dimension_semantics<arbitrary>], iteration_bounds = array<i64: 24>, scalar_prefetch = 0 : i64, scratch_operands = 0 : i64, tpu.core_type = #tpu.core_type<tc>, window_params = [{pipeline_mode = #tpu.pipeline_mode<synchronous>, transform_indices = @transform_0, window_bounds = array<i64: 1, 1>}, {transform_indices = @transform_1, window_bounds = array<i64: 32, 1>}, {pipeline_mode = #tpu.pipeline_mode<synchronous>, transform_indices = @transform_2, window_bounds = array<i64: 16, 4096>}, {transform_indices = @transform_3, window_bounds = array<i64: 32, 16, 4096>}, {transform_indices = @transform_4, window_bounds = array<i64: 32, 1>}]} {
    %get3A = arith.constant 0 : index
    %get3A_0 = arith.constant 0 : index
    %get3A_1 = vector.load %arg1[%get3A, %get3A_0] : memref<1x1xf32, #tpu.memory_space<vmem>>, vector<1x1xf32>
    %get3A_2 = vector.extract %get3A_1[0, 0] : f32 from vector<1x1xf32>
    %get3A_3 = arith.constant 0 : index
    %get3A_4 = arith.constant 0 : index
    %get3A_5 = arith.constant 0 : index
    %get3A_6 = vector.load %arg4[%get3A_3, %get3A_4, %get3A_5] : memref<32x16x4096xf32, #tpu.memory_space<vmem>>, vector<32x16x4096xf32>
    %get3A_7 = arith.constant 0 : index
    %get3A_8 = arith.constant 0 : index
    %get3A_9 = vector.load %arg3[%get3A_7, %get3A_8] : memref<16x4096xf32, #tpu.memory_space<vmem>>, vector<16x4096xf32>
    %broadcast_in_dim3A = vector.shape_cast %get3A_9 : vector<16x4096xf32> to vector<1x16x4096xf32>
    %mul3A = vector.broadcast %broadcast_in_dim3A : vector<1x16x4096xf32> to vector<32x16x4096xf32>
    %mul3A_10 = arith.mulf %get3A_6, %mul3A : vector<32x16x4096xf32>
    %reduce_sum3A = arith.constant dense<0.000000e+00> : vector<32xf32>
    %reduce_sum3A_11 = vector.multi_reduction <add>, %mul3A_10, %reduce_sum3A [1, 2] : vector<32x16x4096xf32> to vector<32xf32>
    %get3A_12 = arith.constant 0 : index
    %get3A_13 = arith.constant 0 : index
    %get3A_14 = vector.load %arg2[%get3A_12, %get3A_13] : memref<32x1xf32, #tpu.memory_space<vmem>>, vector<32x1xf32>
    %lt3A = arith.constant 0.000000e+00 : f32
    %lt3A_15 = vector.broadcast %lt3A : f32 to vector<32x1xf32>
    %lt3A_16 = arith.cmpf olt, %get3A_14, %lt3A_15 : vector<32x1xf32>
    %broadcast_in_dim3A_17 = vector.shape_cast %reduce_sum3A_11 : vector<32xf32> to vector<32x1xf32>
    %ge3A = arith.constant 1.000000e+00 : f32
    %ge3A_18 = vector.broadcast %ge3A : f32 to vector<32x1xf32>
    %ge3A_19 = arith.cmpf oge, %broadcast_in_dim3A_17, %ge3A_18 : vector<32x1xf32>
    %and3A = arith.andi %lt3A_16, %ge3A_19 : vector<32x1xi1>
    %broadcast_in_dim3A_20 = vector.broadcast %get3A_2 : f32 to vector<32x1xf32>
    %select_n3A = arith.select %and3A, %broadcast_in_dim3A_20, %get3A_14 : vector<32x1xi1>, vector<32x1xf32>
    %swap3A = arith.constant 0 : index
    %swap3A_21 = arith.constant 0 : index
    %swap3A_22 = vector.load %arg5[%swap3A, %swap3A_21] : memref<32x1xf32, #tpu.memory_space<vmem>>, vector<32x1xf32>
    tpu.vector_store %arg5[%swap3A, %swap3A_21], %select_n3A {strides = array<i32>} : memref<32x1xf32, #tpu.memory_space<vmem>>, vector<32x1xf32>,
    return
  }
  func.func @transform_0(%arg0: i32) -> (i32, i32) {
    %c0_i32 = arith.constant 0 : i32
    %c0_i32_0 = arith.constant 0 : i32
    %c0_i32_1 = arith.constant 0 : i32
    return %c0_i32, %c0_i32_0 : i32, i32
  }
  func.func @transform_1(%arg0: i32) -> (i32, i32) {
    %c0_i32 = arith.constant 0 : i32
    %c0_i32_0 = arith.constant 0 : i32
    return %arg0, %c0_i32 : i32, i32
  }
  func.func @transform_2(%arg0: i32) -> (i32, i32) {
    %c0_i32 = arith.constant 0 : i32
    %c0_i32_0 = arith.constant 0 : i32
    %c0_i32_1 = arith.constant 0 : i32
    return %c0_i32, %c0_i32_0 : i32, i32
  }
  func.func @transform_3(%arg0: i32) -> (i32, i32, i32) {
    %c0_i32 = arith.constant 0 : i32
    %c0_i32_0 = arith.constant 0 : i32
    %c0_i32_1 = arith.constant 0 : i32
    return %arg0, %c0_i32, %c0_i32_0 : i32, i32, i32
  }
  func.func @transform_4(%arg0: i32) -> (i32, i32) {
    %c0_i32 = arith.constant 0 : i32
    %c0_i32_0 = arith.constant 0 : i32
    return %arg0, %c0_i32 : i32, i32
  }
}

</mosaic_0001>

<sc_bundles>
// kernel: kernel.6.cloned.1.call-start
scs
__scs_entry_jumppad:
0x0: {  	(pc) =	sbr.rel $0x88, $3  }
0x1: {  	(tag) =	ssettag $0x0;
	lr =	simm.s32 $0x1  }
0x2: {  	[smem:$0x3F9C] =	sst lr;
	_ =	strace $0xD0000000  }
0x3: {  	_ = 	snop  }
0x4: {  	_ = 	snop  }
0x5: {  	_ = 	snop  }
0x6: {  	_ = 	snop  }
0x7: {  	_ = 	snop  }
__scs_overlays_trampoline_lowered:
0x8: {  	[smem:$0x3FAB] =	sst s0  }
0x9: {  	[smem:$0x3FAC] =	sst s1  }
0xa: {  	[smem:$0x3FAD] =	sst s2  }
0xb: {  	[smem:$0x3FAE] =	sst s3  }
0xc: {  	[smem:$0x3FAF] =	sst s4  }
0xd: {  	[smem:$0x3FB0] =	sst s5  }
0xe: {  	[smem:$0x3FB1] =	sst s6  }
0xf: {  	[smem:$0x3FB2] =	sst s7  }
0x10: {  	[smem:$0x3FB3] =	sst s8  }
0x11: {  	[smem:$0x3FB4] =	sst s9;
	s0 =	simm.s32 @!p0 $0x0  }
0x12: {  	s1 =	sld [smem:$0x3F9A];
	s0 =	simm.s32 @p0 $0x1  }
0x13: {  	[smem:$0x3FB5] =	sst s0;
	s0 =	simm.s32 @!p1 $0x0  }
0x14: {  	s2 =	sld [smem:$0x3F99];
	s0 =	simm.s32 @p1 $0x1  }
0x15: {  	[smem:$0x3FB6] =	sst s0;
	s0 =	simm.s32 @!p2 $0x0  }
0x16: {  	s3 =	sld [smem:$0x3FDB];
	s0 =	simm.s32 @p2 $0x1  }
0x17: {  	s4 =	simm.s32 $0x1BF5;
	[smem:$0x3FB8] =	sst s0  }
0x18: {  	s0 =	sld [smem:$0x3F9B];
	_ =	swait.ge [sflag:s4], $0x0  }
0x19: {  	s7 =	sld [smem:$0x3F9C]  }
0x1a: {  	s8 =	sadd.s32 $0xFFFFE003, lr  }
0x1b: {  	s9 =	sadd.s32 $0xFFFFFEF7, lr;
	s5 =	simm.s32 $0xFFFFFFFF;
	p2 =	slt.u32 s8, $0xFFFFF086  }
0x1c: {  	p1 =	slt.u32 s9, $0xF7A;
	s5 =	simm.s32 @!p2 $0x0  }
0x1d: {  	s5 =	simm.s32 @p1 $0x1;
	p0 =	seq.s32 s7, s2  }
0x1e: {  	s7 =	smul.u32 @!p0 $0xF7A, s2;
	p2 =	seq.s32 @!p0 s5, $0x0  }
0x1f: {  	s9 =	smul.u32 $0xF7A, s1;
	s8 =	simm.s32 @!p0 $0x1BF5;
	p2 =	por !p2, p0  }
0x20: {  	[sflag:s8] =	ssyncset.s32 @!p0 $0xFFFFF086;
	s6 =	sadd.s32 @!p0 s3, s7;
	s7 =	simm.s32 @!p0 $0x108  }
0x21: {  	s3 =	sadd.s32 s3, s9;
	s6 =	sadd.s32 @!p0 $0x88, s6;
	s7 =	simm.s32 @p2 $0x1082  }
0x22: {  	[simem:s7], [sflag:s8] =	dma.local @!p0 [hbm:s6], $0xF7A  }
0x23: {  	s9 =	sor.u32 $0xD0000000, s2;
	s6 =	simm.s32 $0x108;
	_ =	swait.ge @!p0 [sflag:s8], $0x0  }
0x24: {  	s3 =	sadd.s32 $0x88, s3;
	s6 =	simm.s32 @!p1 $0x1082;
	[sflag:s4] =	ssyncset.s32 $0xFFFFF086  }
0x25: {  	[simem:s6], [sflag:s4] =	dma.local [hbm:s3], $0xF7A  }
0x26: {  	[smem:$0x3F9C] =	sst s1;
	(tag) =	ssettag s2;
	_ =	strace s9  }
0x27: {  	s1 =	sld [smem:$0x3FAC]  }
0x28: {  	s2 =	sld [smem:$0x3FAD]  }
0x29: {  	s4 =	sld [smem:$0x3FAF]  }
0x2a: {  	p0 =	seq.s32 s5, $0x0;
	s5 =	sld [smem:$0x3FB0]  }
0x2b: {  	s6 =	sld [smem:$0x3FB1]  }
0x2c: {  	s7 =	sld [smem:$0x3FB2]  }
0x2d: {  	s3 =	simm.s32 $0x108;
	s8 =	sld [smem:$0x3FB3]  }
0x2e: {  	s3 =	simm.s32 @!p0 $0x1082;
	s9 =	sld [smem:$0x3FB4]  }
0x2f: {  	lr =	sadd.s32 s0, s3;
	s0 =	sld [smem:$0x3FAB]  }
0x30: {  	s3 =	sld [smem:$0x3FAE]  }
0x31: {  	[smem:$0x3FB7] =	sst s10  }
0x32: {  	s10 =	sld [smem:$0x3FB5];
	_ =	sdelay $0x3  }
0x33: {  	p0 =	seq.s32 s10, $0x1;
	s10 =	sld [smem:$0x3FB7];
	_ =	sdelay $0x3  }
0x34: {  	[smem:$0x3FB7] =	sst s10  }
0x35: {  	s10 =	sld [smem:$0x3FB6];
	_ =	sdelay $0x3  }
0x36: {  	p1 =	seq.s32 s10, $0x1;
	s10 =	sld [smem:$0x3FB7];
	_ =	sdelay $0x3  }
0x37: {  	[smem:$0x3FB7] =	sst s10  }
0x38: {  	s10 =	sld [smem:$0x3FB8]  }
0x39: {  	_ = 	snop;
	(pc) =	sbr.ind lr, $3  }
0x3a: {  	_ = 	snop  }
0x3b: {  	_ = 	snop  }
0x3c: {  	p2 =	seq.s32 s10, $0x1;
	s10 =	sld [smem:$0x3FB7]  }
0x3d: {  	_ =	shalt  }
0x3e: {  	_ =	shalt  }
0x3f: {  	_ =	shalt  }
0x40: {  	_ =	shalt  }
0x41: {  	_ =	shalt  }
0x42: {  	_ =	shalt  }
0x43: {  	_ =	shalt  }
0x44: {  	_ =	shalt  }
0x45: {  	_ =	shalt  }
0x46: {  	_ =	shalt  }
0x47: {  	_ =	shalt  }
0x48: {  	_ =	shalt  }
0x49: {  	_ =	shalt  }
0x4a: {  	_ =	shalt  }
0x4b: {  	_ =	shalt  }
0x4c: {  	_ =	shalt  }
0x4d: {  	_ =	shalt  }
0x4e: {  	_ =	shalt  }
0x4f: {  	_ =	shalt  }
0x50: {  	_ =	shalt  }
0x51: {  	_ =	shalt  }
0x52: {  	_ =	shalt  }
0x53: {  	_ =	shalt  }
0x54: {  	_ =	shalt  }
0x55: {  	_ =	shalt  }
0x56: {  	_ =	shalt  }
0x57: {  	_ =	shalt  }
0x58: {  	_ =	shalt  }
0x59: {  	_ =	shalt  }
0x5a: {  	_ =	shalt  }
0x5b: {  	_ =	shalt  }
0x5c: {  	_ =	shalt  }
0x5d: {  	_ =	shalt  }
0x5e: {  	_ =	shalt  }
0x5f: {  	_ =	shalt  }
0x60: {  	_ =	shalt  }
0x61: {  	_ =	shalt  }
0x62: {  	_ =	shalt  }
0x63: {  	_ =	shalt  }
0x64: {  	_ =	shalt  }
0x65: {  	_ =	shalt  }
0x66: {  	_ =	shalt  }
0x67: {  	_ =	shalt  }
0x68: {  	_ =	shalt  }
0x69: {  	_ =	shalt  }
0x6a: {  	_ =	shalt  }
0x6b: {  	_ =	shalt  }
0x6c: {  	_ =	shalt  }
0x6d: {  	_ =	shalt  }
0x6e: {  	_ =	shalt  }
0x6f: {  	_ =	shalt  }
0x70: {  	_ =	shalt  }
0x71: {  	_ =	shalt  }
0x72: {  	_ =	shalt  }
0x73: {  	_ =	shalt  }
0x74: {  	_ =	shalt  }
0x75: {  	_ =	shalt  }
0x76: {  	_ =	shalt  }
0x77: {  	_ =	shalt  }
0x78: {  	_ =	shalt  }
0x79: {  	_ =	shalt  }
0x7a: {  	_ =	shalt  }
0x7b: {  	_ =	shalt  }
0x7c: {  	_ =	shalt  }
0x7d: {  	_ =	shalt  }
0x7e: {  	_ =	shalt  }
0x7f: {  	_ =	shalt  }
0x80: {  	_ =	shalt  }
0x81: {  	_ =	shalt  }
0x82: {  	_ =	shalt  }
0x83: {  	_ =	shalt  }
0x84: {  	_ =	shalt  }
0x85: {  	_ =	shalt  }
0x86: {  	_ =	shalt  }
0x87: {  	_ =	shalt  }
.Lfunc_end0:
.L_simem_size_0:
called_computation_lowered:
.L_overlay_start_0:
0x88: {  	s2 =	sld [smem:$0x3FD9]  }
0x89: {  	s3 =	sld [smem:$0x3FFE];
	_ =	sdelay $0x1  }
0x8a: {  	s1 =	srdreg.scid  }
0x8b: {  	s0 =	sand.u32 $0x1, s1  }
0x8c: {  	s17 =	sshll.u32 s0, $0xA;
	s2 =	sadd.s32 s3, s2  }
0x8d: {  	s2 =	sadd.s32 s2, s17  }
0x8e: {  	[smem:$0x3FC3] =	sst s2  }
0x8f: {  	_ = 	snop  }
0x90: {  	s2 =	sld [smem:$0x3FC7];
	(tm) =	ssettm $0x1  }
0x91: {  	s18 =	sld [smem:$0x3FFB];
	_ =	sdelay $0x3  }
0x92: {  	_ =	strace s18  }
0x93: {  	s3 =	sld [smem:$0x3FFC];
	_ =	sdelay $0x3  }
0x94: {  	_ =	strace s3  }
0x95: {  	s3 =	sld [smem:$0x3FFD];
	_ =	sdelay $0x3  }
0x96: {  	_ =	strace s3  }
0x97: {  	_ =	strace $0x8FFFFFFF  }
0x98: {  	s19 =	sld [smem:$0x3FDB];
	_ =	sdelay $0x1  }
0x99: {  	s4 =	simm.s32 $_scs_section_size  }
0x9a: {  	s5 =	simm.s32 $_size__tile_overlayer_lowered;
	s6 =	simm.s32 $_tile_overlayer_lowered  }
0x9b: {  	s22 =	simm.s32 $0x1BFF;
	s21 =	sshll.u32 s6, $0x1;
	s3 =	sadd.s32 s4, s19  }
0x9c: {  	s7 =	simm.s32 $0x0;
	s20 =	sshll.u32 s5, $0x1;
	s5 =	sadd.s32 s21, s3  }
0x9d: {  	[timem:s7], [sflag:s22] =	dma.local [hbm:s5], s20  }
0x9e: {  	_ =	swait.ge [sflag:s22], s20  }
0x9f: {  	s4 =	ssub.s32 $0x0, s20;
	[sflag:s22] =	ssyncset.done $0x0  }
0xa0: {  	[sflag:s22] =	ssyncadd.s32 s4;
	_ =	sdelay $0x1  }
0xa1: {  	s23 =	simm.s32 $0x1B8B  }
0xa2: {  	_ =	swait.ge [sflag:s23], $0x1  }
0xa3: {  	[sflag:s23] =	ssyncset.done $0x0  }
0xa4: {  	s25 =	simm.s32 $0x1B8E;
	s24 =	sld [smem:$0x3FFE];
	[sflag:s23] =	ssyncadd.s32 $0xFFFFFFFF  }
0xa5: {  	s26 =	simm.s32 $execute0_lowered;
	[smem:$0x3FD2] =	sst s25  }
0xa6: {  	s5 =	sshll.u32 s26, $0x1;
	_ =	strace $0x80000046;
	[dreg:$0x1] =	wrdreg $0xFFFFFFFF  }
0xa7: {  	s28 =	simm.s32 $_size_execute0_lowered;
	s3 =	sadd.s32 s3, s5;
	[dreg:$0x0] =	wrdreg $0x0  }
0xa8: {  	s5 =	sshll.u32 s28, $0x1;
	[dreg:$0x2] =	wrdreg s3  }
0xa9: {  	[dreg:$0x3] =	wrdreg s5  }
0xaa: {  	[dreg:$0x4] =	wrdreg $0xC0  }
0xab: {  	_ =	task [dreg:s7], $0x5FFFF  }
0xac: {  	[dreg:$0x1] =	wrdreg $0xFFFFFFFF  }
0xad: {  	[dreg:$0x0] =	wrdreg $0x60  }
0xae: {  	[dreg:$0x2] =	wrdreg s2  }
0xaf: {  	[dreg:$0x3] =	wrdreg s24  }
0xb0: {  	[dreg:$0x4] =	wrdreg $0x9  }
0xb1: {  	_ =	task.clear_ibuf [dreg:s7], $0x5FFFF;
	_ =	strace $0x90000046  }
0xb2: {  	s29 =	simm.s32 $0x9;
	_ =	strace $0x80000048  }
0xb3: {  	_ =	swait.ge [sflag:s29], $0x1  }
0xb4: {  	[sflag:s29] =	ssyncadd.s32 $0xFFFFFFFF  }
0xb5: {  	_ =	strace $0x90000048  }
0xb6: {  	_ =	sfence  }
0xb7: {  	s30 =	sld [smem:$0x0];
	_ =	sdelay $0x2  }
0xb8: {  	s31 =	sshll.u32 s1, $0xD;
	s1 =	sshrl.u32 s1, $0x2  }
0xb9: {  	s3 =	sand.u32 $0x4000, s31;
	s1 =	sadd.s32 s1, s30  }
0xba: {  	s0 =	sor.u32 s3, s0;
	s1 =	sshll.u32 s1, $0x11  }
0xbb: {  	s0 =	sor.u32 s1, s0  }
0xbc: {  	s0 =	sadd.s32 $0x8F2B, s0  }
0xbd: {  	[sflag:s0] =	ssyncadd.remote.s32 $0x1  }
0xbe: {  	_ =	sfence.sel $0xFFFF  }
0xbf: {  	[dreg:$0x0] =	wrdreg $0xFFFFFFFF;
	(pc) =	sbr.abs _section_cstart, $3  }
0xc0: {  	[dreg:$0x1] =	wrdreg $0xFFFFFFFF  }
0xc1: {  	_ =	task.clear_ibuf [dreg:s7], $0x2FFFF;
	_ =	strace $0x9FFFFFFF  }
0xc2: {  	(tm) =	ssettm $0x7FFFFFFF  }
0xc3: {  	_ =	shalt  }
tec
execute0_lowered:
.L_overlay_start_1:
0x0: {  	(tag) =	ssettag $0x1  }
0x1: {  	s8 =	rddreg [dreg:$0x0]  }
0x2: {  	s4 =	rddreg [dreg:$0x1]  }
0x3: {  	s0 =	rddreg [dreg:$0x2];
	s3 =	srdreg.scid  }
0x4: {  	s1 =	stileid.u32;
	s2 =	simm.s32 $0x0;
	s11 =	simm.s32 $0x3  }
0x5: {  	s12 =	simm.s32 $0x10000;
	s13 =	simm.s32 $0x14000;
	s14 =	simm.s32 $0x1  }
0x6: {  	s15 =	simm.s32 $0x2;
	s16 =	simm.s32 $0x18000;
	s17 =	simm.s32 $0x0  }
0x7: {  	s3 =	sand.u32 $0x1, s3;
	s5 =	sshll.u32 s1, $0x1;
	[smem:$0x7FF] =	sst s2  }
0x8: {  	s5 =	sor.u32 s3, s5;
	_ =	strace $0x80000047;
	s7 =	ssub.s32 $0x2, s3  }
0x9: {  	s3 =	sadd.s32 $0x200, s4;
	s6 =	sshll.u32 s5, $0x7;
	s31 =	sshrl.u32 s7, $0x1  }
0xa: {  	s9 =	sadd.s32 s6, s4;
	s10 =	ssub.s32 s7, s31;
	s4 =	sshll.u32 s5, $0x10  }
0xb: {  	s5 =	sadd.s32 $0x600800, s8;
	s6 =	sadd.s32 $0x600000, s8;
	s7 =	sadd.s32 $0x601000, s8  }
0xc: {  	s8 =	sadd.s32 $0x601800, s8;
	s9 =	sadd.s32 $0x2200, s9;
	s10 =	smax.u32 s10, $0x1  }
.LBB2_1:
0xd: {  	[tilespmem:s2], [sflag:$0x3] =	stream.linear.gather [hbm4b:s3+s2], $0x10000, $0x38;
	[tilespmem:$0x18400] =	vst v63  }
0xe: {  	_ =	swait.ge [sflag:s11], $0x10000  }
0xf: {  	[sflag:s11] =	ssyncset.done $0x0  }
0x10: {  	s18 =	simm.s32 $0x0;
	[sflag:s11] =	ssyncadd.s32 $0xFFFF0000  }
.LBB2_2:
0x11: {  	s19 =	sshll.u32 s18, $0xD  }
0x12: {  	s19 =	sadd.s32 s4, s19  }
0x13: {  	s21 =	simm.s32 $0x0;
	s20 =	sadd.s32 s19, s6  }
0x14: {  	[tilespmem:s12], [sflag:$0x1] =	stream.linear.gather [hbm4b:s20+s21], $0x4000, $0x38;
	[tilespmem:$0x18400] =	vst v63  }
0x15: {  	s31 =	sadd.s32 s19, s5  }
0x16: {  	[tilespmem:s13], [sflag:$0x2] =	stream.linear.gather [hbm4b:s31+s21], $0x4000, $0x38;
	[tilespmem:$0x18400] =	vst v63  }
0x17: {  	_ =	swait.ge [sflag:s14], $0x4000  }
0x18: {  	s20 =	sand.u32 $0x70, s21;
	s21 =	sand.u32 $0x3C00, s21;
	[sflag:s14] =	ssyncset.done $0x0  }
0x19: {  	s23 =	sor.u32 s20, s21;
	[sflag:s14] =	ssyncadd.s32 $0xFFFFC000  }
0x1a: {  	v1 =	vld [tilespmem:s23+$0x10000]  }
0x1b: {  	v2 =	vld [tilespmem:s23+$0x0];
	_ =	sdelay $0x1  }
0x1c: {  	v0 =	vimm.f32 $0.0e+00;
	s22 =	simm.s32 $0x10;
	s23 =	simm.s32 $0x80  }
.LBB2_3:
0x1d: {  	s24 =	sand.u32 $0x70, s22;
	s25 =	sand.u32 $0x3C00, s23;
	p0 =	sne.s32 s22, $0x7F0  }
.Ltmp0:
0x1e: {  	s22 =	sadd.s32 $0x10, s22;
	s24 =	sor.u32 s24, s25;
	(pc) =	sbr.rel @p0 .LBB2_3-.Ltmp0, $4  }
0x1f: {  	v3 =	vmul.f32 v2, v1;
	v1 =	vld [tilespmem:s24+$0x10000]  }
0x20: {  	v2 =	vld [tilespmem:s24+$0x0]  }
0x21: {  	v0 =	vadd.f32 v3, v0  }
0x22: {  	s23 =	sadd.s32 $0x80, s23  }
0x23: {  	_ =	sdelay $0x1  }
0x24: {  	s21 =	sor.u32 s21, s20;
	v2 =	vmul.f32 v2, v1  }
0x25: {  	v1 =	vld [tilespmem:s21+$0x10080]  }
0x26: {  	v0 =	vadd.f32 v2, v0;
	v2 =	vld [tilespmem:s21+$0x80];
	_ =	sdelay $0x1  }
0x27: {  	s20 =	simm.s32 $0x10;
	s21 =	simm.s32 $0x80  }
.LBB2_5:
0x28: {  	s22 =	sand.u32 $0x70, s20;
	s23 =	sand.u32 $0x3C00, s21;
	p0 =	sne.s32 s20, $0x7F0  }
.Ltmp1:
0x29: {  	s20 =	sadd.s32 $0x10, s20;
	s22 =	sor.u32 s23, s22;
	(pc) =	sbr.rel @p0 .LBB2_5-.Ltmp1, $4  }
0x2a: {  	v3 =	vmul.f32 v2, v1;
	v1 =	vld [tilespmem:s22+$0x10080]  }
0x2b: {  	v2 =	vld [tilespmem:s22+$0x80]  }
0x2c: {  	v0 =	vadd.f32 v3, v0  }
0x2d: {  	s21 =	sadd.s32 $0x80, s21  }
0x2e: {  	s20 =	simm.s32 $0x0  }
0x2f: {  	s21 =	sand.u32 $0x70, s20;
	s20 =	sand.u32 $0x3C00, s20  }
0x30: {  	v2 =	vmul.f32 v2, v1;
	s20 =	sor.u32 s20, s21  }
0x31: {  	v1 =	vld [tilespmem:s20+$0x10100]  }
0x32: {  	v0 =	vadd.f32 v2, v0;
	v2 =	vld [tilespmem:s20+$0x100];
	_ =	sdelay $0x1  }
0x33: {  	s22 =	simm.s32 $0x80;
	s21 =	simm.s32 $0x10  }
.LBB2_7:
0x34: {  	s23 =	sand.u32 $0x70, s21;
	s24 =	sand.u32 $0x3C00, s22;
	p0 =	sne.s32 s21, $0x7F0  }
.Ltmp2:
0x35: {  	s21 =	sadd.s32 $0x10, s21;
	s23 =	sor.u32 s24, s23;
	(pc) =	sbr.rel @p0 .LBB2_7-.Ltmp2, $4  }
0x36: {  	v3 =	vmul.f32 v2, v1;
	v1 =	vld [tilespmem:s23+$0x10100]  }
0x37: {  	v2 =	vld [tilespmem:s23+$0x100]  }
0x38: {  	v0 =	vadd.f32 v3, v0  }
0x39: {  	s22 =	sadd.s32 $0x80, s22  }
0x3a: {  	_ =	sdelay $0x1  }
0x3b: {  	v2 =	vmul.f32 v2, v1  }
0x3c: {  	v1 =	vld [tilespmem:s20+$0x10180]  }
0x3d: {  	v0 =	vadd.f32 v2, v0;
	v2 =	vld [tilespmem:s20+$0x180];
	_ =	sdelay $0x1  }
0x3e: {  	s21 =	simm.s32 $0x10;
	s20 =	simm.s32 $0x80  }
.LBB2_9:
0x3f: {  	s22 =	sand.u32 $0x70, s21;
	s23 =	sand.u32 $0x3C00, s20;
	p0 =	sne.s32 s21, $0x7F0  }
.Ltmp3:
0x40: {  	s21 =	sadd.s32 $0x10, s21;
	s22 =	sor.u32 s23, s22;
	(pc) =	sbr.rel @p0 .LBB2_9-.Ltmp3, $4  }
0x41: {  	v3 =	vmul.f32 v2, v1;
	v1 =	vld [tilespmem:s22+$0x10180]  }
0x42: {  	v2 =	vld [tilespmem:s22+$0x180]  }
0x43: {  	v0 =	vadd.f32 v3, v0  }
0x44: {  	s20 =	sadd.s32 $0x80, s20  }
0x45: {  	s20 =	simm.s32 $0x0  }
0x46: {  	s21 =	sand.u32 $0x70, s20;
	s20 =	sand.u32 $0x3C00, s20  }
0x47: {  	v2 =	vmul.f32 v2, v1;
	s20 =	sor.u32 s20, s21  }
0x48: {  	v1 =	vld [tilespmem:s20+$0x10200]  }
0x49: {  	v0 =	vadd.f32 v2, v0;
	v2 =	vld [tilespmem:s20+$0x200];
	_ =	sdelay $0x1  }
0x4a: {  	s22 =	simm.s32 $0x80;
	s21 =	simm.s32 $0x10  }
.LBB2_11:
0x4b: {  	s23 =	sand.u32 $0x70, s21;
	s24 =	sand.u32 $0x3C00, s22;
	p0 =	sne.s32 s21, $0x7F0  }
.Ltmp4:
0x4c: {  	s21 =	sadd.s32 $0x10, s21;
	s23 =	sor.u32 s24, s23;
	(pc) =	sbr.rel @p0 .LBB2_11-.Ltmp4, $4  }
0x4d: {  	v3 =	vmul.f32 v2, v1;
	v1 =	vld [tilespmem:s23+$0x10200]  }
0x4e: {  	v2 =	vld [tilespmem:s23+$0x200]  }
0x4f: {  	v0 =	vadd.f32 v3, v0  }
0x50: {  	s22 =	sadd.s32 $0x80, s22  }
0x51: {  	_ =	sdelay $0x1  }
0x52: {  	v2 =	vmul.f32 v2, v1  }
0x53: {  	v1 =	vld [tilespmem:s20+$0x10280]  }
0x54: {  	v0 =	vadd.f32 v2, v0;
	v2 =	vld [tilespmem:s20+$0x280];
	_ =	sdelay $0x1  }
0x55: {  	s21 =	simm.s32 $0x10;
	s20 =	simm.s32 $0x80  }
.LBB2_13:
0x56: {  	s22 =	sand.u32 $0x70, s21;
	s23 =	sand.u32 $0x3C00, s20;
	p0 =	sne.s32 s21, $0x7F0  }
.Ltmp5:
0x57: {  	s21 =	sadd.s32 $0x10, s21;
	s22 =	sor.u32 s23, s22;
	(pc) =	sbr.rel @p0 .LBB2_13-.Ltmp5, $4  }
0x58: {  	v3 =	vmul.f32 v2, v1;
	v1 =	vld [tilespmem:s22+$0x10280]  }
0x59: {  	v2 =	vld [tilespmem:s22+$0x280]  }
0x5a: {  	v0 =	vadd.f32 v3, v0  }
0x5b: {  	s20 =	sadd.s32 $0x80, s20  }
0x5c: {  	s20 =	simm.s32 $0x0  }
0x5d: {  	s21 =	sand.u32 $0x70, s20;
	s22 =	sand.u32 $0x3C00, s20  }
0x5e: {  	v2 =	vmul.f32 v2, v1;
	s22 =	sor.u32 s22, s21  }
0x5f: {  	v1 =	vld [tilespmem:s22+$0x10300]  }
0x60: {  	v0 =	vadd.f32 v2, v0;
	v2 =	vld [tilespmem:s22+$0x300];
	_ =	sdelay $0x1  }
0x61: {  	s21 =	simm.s32 $0x10;
	s22 =	simm.s32 $0x80  }
.LBB2_15:
0x62: {  	s23 =	sand.u32 $0x70, s21;
	s24 =	sand.u32 $0x3C00, s22;
	p0 =	sne.s32 s21, $0x7F0  }
.Ltmp6:
0x63: {  	s21 =	sadd.s32 $0x10, s21;
	s23 =	sor.u32 s24, s23;
	(pc) =	sbr.rel @p0 .LBB2_15-.Ltmp6, $4  }
0x64: {  	v3 =	vmul.f32 v2, v1;
	v1 =	vld [tilespmem:s23+$0x10300]  }
0x65: {  	v2 =	vld [tilespmem:s23+$0x300]  }
0x66: {  	v0 =	vadd.f32 v3, v0  }
0x67: {  	s22 =	sadd.s32 $0x80, s22  }
0x68: {  	s20 =	sand.u32 $0x7, s20  }
0x69: {  	s20 =	sshll.u32 s20, $0x4  }
0x6a: {  	s20 =	sadd.s32 $0x0, s20  }
0x6b: {  	s20 =	sor.u32 $0x380, s20  }
0x6c: {  	v3 =	vld [tilespmem:s20+$0x10000]  }
0x6d: {  	s21 =	simm.s32 $0x1;
	v4 =	vld [tilespmem:s20+$0x0]  }
0x6e: {  	s31 =	sand.u32 $0x7, s21  }
0x6f: {  	s20 =	sshll.u32 s31, $0x4  }
0x70: {  	v2 =	vmul.f32 v2, v1;
	s20 =	sadd.s32 $0x80, s20  }
0x71: {  	s22 =	sor.u32 $0x380, s20  }
0x72: {  	v0 =	vadd.f32 v2, v0;
	v1 =	vld [tilespmem:s22+$0x10000];
	v3 =	vmul.f32 v4, v3  }
0x73: {  	s21 =	simm.s32 $0x20;
	s20 =	simm.s32 $0x80;
	v2 =	vld [tilespmem:s22+$0x0];
	s22 =	simm.s32 $0x2  }
.LBB2_17:
0x74: {  	s23 =	sand.u32 $0x7, s22;
	s20 =	sadd.s32 $0x80, s20;
	v0 =	vadd.f32 v3, v0;
	p0 =	sne.s32 s21, $0x7F0  }
.Ltmp7:
0x75: {  	s21 =	sadd.s32 $0x10, s21;
	s23 =	sshll.u32 s23, $0x4;
	(pc) =	sbr.rel @p0 .LBB2_17-.Ltmp7, $4  }
0x76: {  	s23 =	sadd.s32 s23, s20  }
0x77: {  	s23 =	sor.u32 $0x380, s23  }
0x78: {  	v3 =	vmul.f32 v2, v1;
	v1 =	vld [tilespmem:s23+$0x10000]  }
0x79: {  	s22 =	sadd.s32 $0x1, s22;
	v2 =	vld [tilespmem:s23+$0x0]  }
0x7a: {  	s20 =	sadd.s32 s19, s7;
	s21 =	simm.s32 $0x0  }
0x7b: {  	[tilespmem:s12], [sflag:$0x1] =	stream.linear.gather [hbm4b:s20+s21], $0x4000, $0x38;
	[tilespmem:$0x18400] =	vst v63  }
0x7c: {  	_ =	swait.ge [sflag:s15], $0x4000  }
0x7d: {  	s31 =	sand.u32 $0x70, s21;
	s21 =	sand.u32 $0x3C00, s21;
	[sflag:s15] =	ssyncset.done $0x0  }
0x7e: {  	v0 =	vadd.f32 v3, v0;
	s20 =	sor.u32 s31, s21;
	v2 =	vmul.f32 v2, v1;
	[sflag:s15] =	ssyncadd.s32 $0xFFFFC000  }
0x7f: {  	v1 =	vld [tilespmem:s20+$0x14000]  }
0x80: {  	v0 =	vadd.f32 v2, v0;
	v2 =	vld [tilespmem:s20+$0x4000];
	_ =	sdelay $0x1  }
0x81: {  	s22 =	simm.s32 $0x80;
	s21 =	simm.s32 $0x10  }
.LBB2_19:
0x82: {  	s23 =	sand.u32 $0x70, s21;
	s24 =	sand.u32 $0x3C00, s22;
	p0 =	sne.s32 s21, $0x7F0  }
.Ltmp8:
0x83: {  	s21 =	sadd.s32 $0x10, s21;
	s23 =	sor.u32 s23, s24;
	(pc) =	sbr.rel @p0 .LBB2_19-.Ltmp8, $4  }
0x84: {  	v3 =	vmul.f32 v2, v1;
	v1 =	vld [tilespmem:s23+$0x14000]  }
0x85: {  	v2 =	vld [tilespmem:s23+$0x4000]  }
0x86: {  	v0 =	vadd.f32 v3, v0  }
0x87: {  	s22 =	sadd.s32 $0x80, s22  }
0x88: {  	_ =	sdelay $0x1  }
0x89: {  	v2 =	vmul.f32 v2, v1  }
0x8a: {  	v1 =	vld [tilespmem:s20+$0x14080]  }
0x8b: {  	v0 =	vadd.f32 v2, v0;
	v2 =	vld [tilespmem:s20+$0x4080];
	_ =	sdelay $0x1  }
0x8c: {  	s21 =	simm.s32 $0x10;
	s20 =	simm.s32 $0x80  }
.LBB2_21:
0x8d: {  	s22 =	sand.u32 $0x70, s21;
	s23 =	sand.u32 $0x3C00, s20;
	p0 =	sne.s32 s21, $0x7F0  }
.Ltmp9:
0x8e: {  	s21 =	sadd.s32 $0x10, s21;
	s22 =	sor.u32 s22, s23;
	(pc) =	sbr.rel @p0 .LBB2_21-.Ltmp9, $4  }
0x8f: {  	v3 =	vmul.f32 v2, v1;
	v1 =	vld [tilespmem:s22+$0x14080]  }
0x90: {  	v2 =	vld [tilespmem:s22+$0x4080]  }
0x91: {  	v0 =	vadd.f32 v3, v0  }
0x92: {  	s20 =	sadd.s32 $0x80, s20  }
0x93: {  	s20 =	simm.s32 $0x0  }
0x94: {  	s21 =	sand.u32 $0x70, s20;
	s20 =	sand.u32 $0x3C00, s20  }
0x95: {  	v2 =	vmul.f32 v2, v1;
	s20 =	sor.u32 s21, s20  }
0x96: {  	v1 =	vld [tilespmem:s20+$0x14100]  }
0x97: {  	v0 =	vadd.f32 v2, v0;
	v2 =	vld [tilespmem:s20+$0x4100];
	_ =	sdelay $0x1  }
0x98: {  	s22 =	simm.s32 $0x80;
	s21 =	simm.s32 $0x10  }
.LBB2_23:
0x99: {  	s23 =	sand.u32 $0x70, s21;
	s24 =	sand.u32 $0x3C00, s22;
	p0 =	sne.s32 s21, $0x7F0  }
.Ltmp10:
0x9a: {  	s21 =	sadd.s32 $0x10, s21;
	s23 =	sor.u32 s23, s24;
	(pc) =	sbr.rel @p0 .LBB2_23-.Ltmp10, $4  }
0x9b: {  	v3 =	vmul.f32 v2, v1;
	v1 =	vld [tilespmem:s23+$0x14100]  }
0x9c: {  	v2 =	vld [tilespmem:s23+$0x4100]  }
0x9d: {  	v0 =	vadd.f32 v3, v0  }
0x9e: {  	s22 =	sadd.s32 $0x80, s22  }
0x9f: {  	_ =	sdelay $0x1  }
0xa0: {  	v2 =	vmul.f32 v2, v1  }
0xa1: {  	v1 =	vld [tilespmem:s20+$0x14180]  }
0xa2: {  	v0 =	vadd.f32 v2, v0;
	v2 =	vld [tilespmem:s20+$0x4180];
	_ =	sdelay $0x1  }
0xa3: {  	s21 =	simm.s32 $0x10;
	s20 =	simm.s32 $0x80  }
.LBB2_25:
0xa4: {  	s22 =	sand.u32 $0x70, s21;
	s23 =	sand.u32 $0x3C00, s20;
	p0 =	sne.s32 s21, $0x7F0  }
.Ltmp11:
0xa5: {  	s21 =	sadd.s32 $0x10, s21;
	s22 =	sor.u32 s22, s23;
	(pc) =	sbr.rel @p0 .LBB2_25-.Ltmp11, $4  }
0xa6: {  	v3 =	vmul.f32 v2, v1;
	v1 =	vld [tilespmem:s22+$0x14180]  }
0xa7: {  	v2 =	vld [tilespmem:s22+$0x4180]  }
0xa8: {  	v0 =	vadd.f32 v3, v0  }
0xa9: {  	s20 =	sadd.s32 $0x80, s20  }
0xaa: {  	s20 =	simm.s32 $0x0  }
0xab: {  	s21 =	sand.u32 $0x70, s20;
	s20 =	sand.u32 $0x3C00, s20  }
0xac: {  	v2 =	vmul.f32 v2, v1;
	s20 =	sor.u32 s21, s20  }
0xad: {  	v1 =	vld [tilespmem:s20+$0x14200]  }
0xae: {  	v0 =	vadd.f32 v2, v0;
	v2 =	vld [tilespmem:s20+$0x4200];
	_ =	sdelay $0x1  }
0xaf: {  	s22 =	simm.s32 $0x80;
	s21 =	simm.s32 $0x10  }
.LBB2_27:
0xb0: {  	s23 =	sand.u32 $0x70, s21;
	s24 =	sand.u32 $0x3C00, s22;
	p0 =	sne.s32 s21, $0x7F0  }
.Ltmp12:
0xb1: {  	s21 =	sadd.s32 $0x10, s21;
	s23 =	sor.u32 s23, s24;
	(pc) =	sbr.rel @p0 .LBB2_27-.Ltmp12, $4  }
0xb2: {  	v3 =	vmul.f32 v2, v1;
	v1 =	vld [tilespmem:s23+$0x14200]  }
0xb3: {  	v2 =	vld [tilespmem:s23+$0x4200]  }
0xb4: {  	v0 =	vadd.f32 v3, v0  }
0xb5: {  	s22 =	sadd.s32 $0x80, s22  }
0xb6: {  	_ =	sdelay $0x1  }
0xb7: {  	v2 =	vmul.f32 v2, v1  }
0xb8: {  	v1 =	vld [tilespmem:s20+$0x14280]  }
0xb9: {  	v0 =	vadd.f32 v2, v0;
	v2 =	vld [tilespmem:s20+$0x4280];
	_ =	sdelay $0x1  }
0xba: {  	s21 =	simm.s32 $0x10;
	s20 =	simm.s32 $0x80  }
.LBB2_29:
0xbb: {  	s22 =	sand.u32 $0x70, s21;
	s23 =	sand.u32 $0x3C00, s20;
	p0 =	sne.s32 s21, $0x7F0  }
.Ltmp13:
0xbc: {  	s21 =	sadd.s32 $0x10, s21;
	s22 =	sor.u32 s22, s23;
	(pc) =	sbr.rel @p0 .LBB2_29-.Ltmp13, $4  }
0xbd: {  	v3 =	vmul.f32 v2, v1;
	v1 =	vld [tilespmem:s22+$0x14280]  }
0xbe: {  	v2 =	vld [tilespmem:s22+$0x4280]  }
0xbf: {  	v0 =	vadd.f32 v3, v0  }
0xc0: {  	s20 =	sadd.s32 $0x80, s20  }
0xc1: {  	s21 =	simm.s32 $0x0  }
0xc2: {  	s22 =	sand.u32 $0x70, s21;
	s20 =	sand.u32 $0x3C00, s21  }
0xc3: {  	v2 =	vmul.f32 v2, v1;
	s23 =	sor.u32 s22, s20  }
0xc4: {  	v1 =	vld [tilespmem:s23+$0x14300]  }
0xc5: {  	v0 =	vadd.f32 v2, v0;
	v2 =	vld [tilespmem:s23+$0x4300];
	_ =	sdelay $0x1  }
0xc6: {  	s22 =	simm.s32 $0x10;
	s23 =	simm.s32 $0x80  }
.LBB2_31:
0xc7: {  	s24 =	sand.u32 $0x70, s22;
	s25 =	sand.u32 $0x3C00, s23;
	p0 =	sne.s32 s22, $0x7F0  }
.Ltmp14:
0xc8: {  	s22 =	sadd.s32 $0x10, s22;
	s24 =	sor.u32 s24, s25;
	(pc) =	sbr.rel @p0 .LBB2_31-.Ltmp14, $4  }
0xc9: {  	v3 =	vmul.f32 v2, v1;
	v1 =	vld [tilespmem:s24+$0x14300]  }
0xca: {  	v2 =	vld [tilespmem:s24+$0x4300]  }
0xcb: {  	v0 =	vadd.f32 v3, v0  }
0xcc: {  	s23 =	sadd.s32 $0x80, s23  }
0xcd: {  	s22 =	sand.u32 $0x7, s21  }
0xce: {  	s30 =	sand.u32 $0x70, s21;
	s22 =	sshll.u32 s22, $0x4  }
0xcf: {  	s20 =	sor.u32 s30, s20;
	v2 =	vmul.f32 v2, v1;
	s22 =	sadd.s32 $0x0, s22  }
0xd0: {  	v1 =	vld [tilespmem:s20+$0x4380];
	s31 =	sor.u32 $0x380, s22  }
0xd1: {  	s21 =	simm.s32 $0x80;
	s20 =	simm.s32 $0x10;
	s22 =	simm.s32 $0x1;
	v0 =	vadd.f32 v2, v0;
	v2 =	vld [tilespmem:s31+$0x14000]  }
.LBB2_33:
0xd2: {  	s23 =	sand.u32 $0x7, s22;
	p0 =	sne.s32 s20, $0x7F0  }
0xd3: {  	s24 =	smov.u32 s20;
	s20 =	sadd.s32 $0x10, s20;
	s25 =	sand.u32 $0x3C00, s21  }
.Ltmp15:
0xd4: {  	s23 =	sshll.u32 s23, $0x4;
	s24 =	sand.u32 $0x70, s24;
	(pc) =	sbr.rel @p0 .LBB2_33-.Ltmp15, $4  }
0xd5: {  	s23 =	sadd.s32 s23, s21;
	s24 =	sor.u32 s24, s25  }
0xd6: {  	s23 =	sor.u32 $0x380, s23;
	v3 =	vmul.f32 v1, v2;
	v1 =	vld [tilespmem:s24+$0x4380]  }
0xd7: {  	v2 =	vld [tilespmem:s23+$0x14000]  }
0xd8: {  	s22 =	sadd.s32 $0x1, s22;
	s21 =	sadd.s32 $0x80, s21;
	v0 =	vadd.f32 v3, v0  }
0xd9: {  	s19 =	sadd.s32 s19, s8;
	s20 =	simm.s32 $0x0  }
0xda: {  	[tilespmem:s13], [sflag:$0x2] =	stream.linear.gather [hbm4b:s19+s20], $0x4000, $0x38;
	[tilespmem:$0x18400] =	vst v63  }
0xdb: {  	_ =	swait.ge [sflag:s14], $0x4000  }
0xdc: {  	s31 =	sand.u32 $0x70, s20;
	s20 =	sand.u32 $0x3C00, s20;
	[sflag:s14] =	ssyncset.done $0x0  }
0xdd: {  	s19 =	sor.u32 s31, s20;
	v2 =	vmul.f32 v1, v2;
	[sflag:s14] =	ssyncadd.s32 $0xFFFFC000  }
0xde: {  	v1 =	vld [tilespmem:s19+$0x10000]  }
0xdf: {  	v0 =	vadd.f32 v2, v0;
	v2 =	vld [tilespmem:s19+$0x8000];
	_ =	sdelay $0x1  }
0xe0: {  	s21 =	simm.s32 $0x80;
	s20 =	simm.s32 $0x10  }
.LBB2_35:
0xe1: {  	s22 =	sand.u32 $0x70, s20;
	s23 =	sand.u32 $0x3C00, s21;
	p0 =	sne.s32 s20, $0x7F0  }
.Ltmp16:
0xe2: {  	s20 =	sadd.s32 $0x10, s20;
	s22 =	sor.u32 s22, s23;
	(pc) =	sbr.rel @p0 .LBB2_35-.Ltmp16, $4  }
0xe3: {  	v3 =	vmul.f32 v2, v1;
	v1 =	vld [tilespmem:s22+$0x10000]  }
0xe4: {  	v2 =	vld [tilespmem:s22+$0x8000]  }
0xe5: {  	v0 =	vadd.f32 v3, v0  }
0xe6: {  	s21 =	sadd.s32 $0x80, s21  }
0xe7: {  	_ =	sdelay $0x1  }
0xe8: {  	v2 =	vmul.f32 v2, v1  }
0xe9: {  	v1 =	vld [tilespmem:s19+$0x10080]  }
0xea: {  	v0 =	vadd.f32 v2, v0;
	v2 =	vld [tilespmem:s19+$0x8080];
	_ =	sdelay $0x1  }
0xeb: {  	s20 =	simm.s32 $0x10;
	s19 =	simm.s32 $0x80  }
.LBB2_37:
0xec: {  	s21 =	sand.u32 $0x70, s20;
	s22 =	sand.u32 $0x3C00, s19;
	p0 =	sne.s32 s20, $0x7F0  }
.Ltmp17:
0xed: {  	s20 =	sadd.s32 $0x10, s20;
	s21 =	sor.u32 s21, s22;
	(pc) =	sbr.rel @p0 .LBB2_37-.Ltmp17, $4  }
0xee: {  	v3 =	vmul.f32 v2, v1;
	v1 =	vld [tilespmem:s21+$0x10080]  }
0xef: {  	v2 =	vld [tilespmem:s21+$0x8080]  }
0xf0: {  	v0 =	vadd.f32 v3, v0  }
0xf1: {  	s19 =	sadd.s32 $0x80, s19  }
0xf2: {  	s19 =	simm.s32 $0x0  }
0xf3: {  	s20 =	sand.u32 $0x70, s19;
	s19 =	sand.u32 $0x3C00, s19  }
0xf4: {  	v2 =	vmul.f32 v2, v1;
	s19 =	sor.u32 s20, s19  }
0xf5: {  	v1 =	vld [tilespmem:s19+$0x10100]  }
0xf6: {  	v0 =	vadd.f32 v2, v0;
	v2 =	vld [tilespmem:s19+$0x8100];
	_ =	sdelay $0x1  }
0xf7: {  	s21 =	simm.s32 $0x80;
	s20 =	simm.s32 $0x10  }
.LBB2_39:
0xf8: {  	s22 =	sand.u32 $0x70, s20;
	s23 =	sand.u32 $0x3C00, s21;
	p0 =	sne.s32 s20, $0x7F0  }
.Ltmp18:
0xf9: {  	s20 =	sadd.s32 $0x10, s20;
	s22 =	sor.u32 s22, s23;
	(pc) =	sbr.rel @p0 .LBB2_39-.Ltmp18, $4  }
0xfa: {  	v3 =	vmul.f32 v2, v1;
	v1 =	vld [tilespmem:s22+$0x10100]  }
0xfb: {  	v2 =	vld [tilespmem:s22+$0x8100]  }
0xfc: {  	v0 =	vadd.f32 v3, v0  }
0xfd: {  	s21 =	sadd.s32 $0x80, s21  }
0xfe: {  	_ =	sdelay $0x1  }
0xff: {  	v2 =	vmul.f32 v2, v1  }
0x100: {  	v1 =	vld [tilespmem:s19+$0x10180]  }
0x101: {  	v0 =	vadd.f32 v2, v0;
	v2 =	vld [tilespmem:s19+$0x8180];
	_ =	sdelay $0x1  }
0x102: {  	s20 =	simm.s32 $0x10;
	s19 =	simm.s32 $0x80  }
.LBB2_41:
0x103: {  	s21 =	sand.u32 $0x70, s20;
	s22 =	sand.u32 $0x3C00, s19;
	p0 =	sne.s32 s20, $0x7F0  }
.Ltmp19:
0x104: {  	s20 =	sadd.s32 $0x10, s20;
	s21 =	sor.u32 s21, s22;
	(pc) =	sbr.rel @p0 .LBB2_41-.Ltmp19, $4  }
0x105: {  	v3 =	vmul.f32 v2, v1;
	v1 =	vld [tilespmem:s21+$0x10180]  }
0x106: {  	v2 =	vld [tilespmem:s21+$0x8180]  }
0x107: {  	v0 =	vadd.f32 v3, v0  }
0x108: {  	s19 =	sadd.s32 $0x80, s19  }
0x109: {  	s19 =	simm.s32 $0x0  }
0x10a: {  	s20 =	sand.u32 $0x70, s19;
	s19 =	sand.u32 $0x3C00, s19  }
0x10b: {  	v2 =	vmul.f32 v2, v1;
	s19 =	sor.u32 s20, s19  }
0x10c: {  	v1 =	vld [tilespmem:s19+$0x10200]  }
0x10d: {  	v0 =	vadd.f32 v2, v0;
	v2 =	vld [tilespmem:s19+$0x8200];
	_ =	sdelay $0x1  }
0x10e: {  	s21 =	simm.s32 $0x80;
	s20 =	simm.s32 $0x10  }
.LBB2_43:
0x10f: {  	s22 =	sand.u32 $0x70, s20;
	s23 =	sand.u32 $0x3C00, s21;
	p0 =	sne.s32 s20, $0x7F0  }
.Ltmp20:
0x110: {  	s20 =	sadd.s32 $0x10, s20;
	s22 =	sor.u32 s22, s23;
	(pc) =	sbr.rel @p0 .LBB2_43-.Ltmp20, $4  }
0x111: {  	v3 =	vmul.f32 v2, v1;
	v1 =	vld [tilespmem:s22+$0x10200]  }
0x112: {  	v2 =	vld [tilespmem:s22+$0x8200]  }
0x113: {  	v0 =	vadd.f32 v3, v0  }
0x114: {  	s21 =	sadd.s32 $0x80, s21  }
0x115: {  	_ =	sdelay $0x1  }
0x116: {  	v2 =	vmul.f32 v2, v1  }
0x117: {  	v1 =	vld [tilespmem:s19+$0x10280]  }
0x118: {  	v0 =	vadd.f32 v2, v0;
	v2 =	vld [tilespmem:s19+$0x8280];
	_ =	sdelay $0x1  }
0x119: {  	s20 =	simm.s32 $0x10;
	s19 =	simm.s32 $0x80  }
.LBB2_45:
0x11a: {  	s21 =	sand.u32 $0x70, s20;
	s22 =	sand.u32 $0x3C00, s19;
	p0 =	sne.s32 s20, $0x7F0  }
.Ltmp21:
0x11b: {  	s20 =	sadd.s32 $0x10, s20;
	s21 =	sor.u32 s21, s22;
	(pc) =	sbr.rel @p0 .LBB2_45-.Ltmp21, $4  }
0x11c: {  	v3 =	vmul.f32 v2, v1;
	v1 =	vld [tilespmem:s21+$0x10280]  }
0x11d: {  	v2 =	vld [tilespmem:s21+$0x8280]  }
0x11e: {  	v0 =	vadd.f32 v3, v0  }
0x11f: {  	s19 =	sadd.s32 $0x80, s19  }
0x120: {  	s20 =	simm.s32 $0x0  }
0x121: {  	s21 =	sand.u32 $0x70, s20;
	s19 =	sand.u32 $0x3C00, s20  }
0x122: {  	v2 =	vmul.f32 v2, v1;
	s22 =	sor.u32 s21, s19  }
0x123: {  	v1 =	vld [tilespmem:s22+$0x10300]  }
0x124: {  	v0 =	vadd.f32 v2, v0;
	v2 =	vld [tilespmem:s22+$0x8300];
	_ =	sdelay $0x1  }
0x125: {  	s21 =	simm.s32 $0x10;
	s22 =	simm.s32 $0x80  }
.LBB2_47:
0x126: {  	s23 =	sand.u32 $0x70, s21;
	s24 =	sand.u32 $0x3C00, s22;
	p0 =	sne.s32 s21, $0x7F0  }
.Ltmp22:
0x127: {  	s21 =	sadd.s32 $0x10, s21;
	s23 =	sor.u32 s23, s24;
	(pc) =	sbr.rel @p0 .LBB2_47-.Ltmp22, $4  }
0x128: {  	v3 =	vmul.f32 v2, v1;
	v1 =	vld [tilespmem:s23+$0x10300]  }
0x129: {  	v2 =	vld [tilespmem:s23+$0x8300]  }
0x12a: {  	v0 =	vadd.f32 v3, v0  }
0x12b: {  	s22 =	sadd.s32 $0x80, s22  }
0x12c: {  	s21 =	sand.u32 $0x7, s20  }
0x12d: {  	s30 =	sand.u32 $0x70, s20;
	s21 =	sshll.u32 s21, $0x4  }
0x12e: {  	s19 =	sor.u32 s30, s19;
	v2 =	vmul.f32 v2, v1;
	s21 =	sadd.s32 $0x0, s21  }
0x12f: {  	v1 =	vld [tilespmem:s19+$0x8380];
	s31 =	sor.u32 $0x380, s21  }
0x130: {  	s20 =	simm.s32 $0x80;
	s19 =	simm.s32 $0x10;
	s21 =	simm.s32 $0x1;
	v0 =	vadd.f32 v2, v0;
	v2 =	vld [tilespmem:s31+$0x10000]  }
.LBB2_49:
0x131: {  	s22 =	sand.u32 $0x7, s21;
	p0 =	sne.s32 s19, $0x7F0  }
0x132: {  	s23 =	smov.u32 s19;
	s19 =	sadd.s32 $0x10, s19;
	s24 =	sand.u32 $0x3C00, s20  }
.Ltmp23:
0x133: {  	s22 =	sshll.u32 s22, $0x4;
	s23 =	sand.u32 $0x70, s23;
	(pc) =	sbr.rel @p0 .LBB2_49-.Ltmp23, $4  }
0x134: {  	s22 =	sadd.s32 s22, s20;
	s23 =	sor.u32 s23, s24  }
0x135: {  	s22 =	sor.u32 $0x380, s22;
	v3 =	vmul.f32 v1, v2;
	v1 =	vld [tilespmem:s23+$0x8380]  }
0x136: {  	v2 =	vld [tilespmem:s22+$0x10000]  }
0x137: {  	s21 =	sadd.s32 $0x1, s21;
	s20 =	sadd.s32 $0x80, s20;
	v0 =	vadd.f32 v3, v0  }
0x138: {  	_ = 	snop  }
0x139: {  	_ =	swait.ge [sflag:s15], $0x4000;
	s19 =	simm.s32 $0x0  }
0x13a: {  	[sflag:s15] =	ssyncset.done $0x0;
	s20 =	sand.u32 $0x70, s19;
	s19 =	sand.u32 $0x3C00, s19  }
0x13b: {  	[sflag:s15] =	ssyncadd.s32 $0xFFFFC000;
	s19 =	sor.u32 s20, s19;
	v2 =	vmul.f32 v1, v2  }
0x13c: {  	v1 =	vld [tilespmem:s19+$0x14000]  }
0x13d: {  	v0 =	vadd.f32 v2, v0;
	v2 =	vld [tilespmem:s19+$0xC000];
	_ =	sdelay $0x1  }
0x13e: {  	s21 =	simm.s32 $0x80;
	s20 =	simm.s32 $0x10  }
.LBB2_51:
0x13f: {  	s22 =	sand.u32 $0x70, s20;
	s23 =	sand.u32 $0x3C00, s21;
	p0 =	sne.s32 s20, $0x7F0  }
.Ltmp24:
0x140: {  	s20 =	sadd.s32 $0x10, s20;
	s22 =	sor.u32 s22, s23;
	(pc) =	sbr.rel @p0 .LBB2_51-.Ltmp24, $4  }
0x141: {  	v3 =	vmul.f32 v2, v1;
	v1 =	vld [tilespmem:s22+$0x14000]  }
0x142: {  	v2 =	vld [tilespmem:s22+$0xC000]  }
0x143: {  	v0 =	vadd.f32 v3, v0  }
0x144: {  	s21 =	sadd.s32 $0x80, s21  }
0x145: {  	_ =	sdelay $0x1  }
0x146: {  	v2 =	vmul.f32 v2, v1  }
0x147: {  	v1 =	vld [tilespmem:s19+$0x14080]  }
0x148: {  	v0 =	vadd.f32 v2, v0;
	v2 =	vld [tilespmem:s19+$0xC080];
	_ =	sdelay $0x1  }
0x149: {  	s20 =	simm.s32 $0x10;
	s19 =	simm.s32 $0x80  }
.LBB2_53:
0x14a: {  	s21 =	sand.u32 $0x70, s20;
	s22 =	sand.u32 $0x3C00, s19;
	p0 =	sne.s32 s20, $0x7F0  }
.Ltmp25:
0x14b: {  	s20 =	sadd.s32 $0x10, s20;
	s21 =	sor.u32 s21, s22;
	(pc) =	sbr.rel @p0 .LBB2_53-.Ltmp25, $4  }
0x14c: {  	v3 =	vmul.f32 v2, v1;
	v1 =	vld [tilespmem:s21+$0x14080]  }
0x14d: {  	v2 =	vld [tilespmem:s21+$0xC080]  }
0x14e: {  	v0 =	vadd.f32 v3, v0  }
0x14f: {  	s19 =	sadd.s32 $0x80, s19  }
0x150: {  	s19 =	simm.s32 $0x0  }
0x151: {  	s20 =	sand.u32 $0x70, s19;
	s19 =	sand.u32 $0x3C00, s19  }
0x152: {  	v2 =	vmul.f32 v2, v1;
	s19 =	sor.u32 s20, s19  }
0x153: {  	v1 =	vld [tilespmem:s19+$0x14100]  }
0x154: {  	v0 =	vadd.f32 v2, v0;
	v2 =	vld [tilespmem:s19+$0xC100];
	_ =	sdelay $0x1  }
0x155: {  	s21 =	simm.s32 $0x80;
	s20 =	simm.s32 $0x10  }
.LBB2_55:
0x156: {  	s22 =	sand.u32 $0x70, s20;
	s23 =	sand.u32 $0x3C00, s21;
	p0 =	sne.s32 s20, $0x7F0  }
.Ltmp26:
0x157: {  	s20 =	sadd.s32 $0x10, s20;
	s22 =	sor.u32 s22, s23;
	(pc) =	sbr.rel @p0 .LBB2_55-.Ltmp26, $4  }
0x158: {  	v3 =	vmul.f32 v2, v1;
	v1 =	vld [tilespmem:s22+$0x14100]  }
0x159: {  	v2 =	vld [tilespmem:s22+$0xC100]  }
0x15a: {  	v0 =	vadd.f32 v3, v0  }
0x15b: {  	s21 =	sadd.s32 $0x80, s21  }
0x15c: {  	_ =	sdelay $0x1  }
0x15d: {  	v2 =	vmul.f32 v2, v1  }
0x15e: {  	v1 =	vld [tilespmem:s19+$0x14180]  }
0x15f: {  	v0 =	vadd.f32 v2, v0;
	v2 =	vld [tilespmem:s19+$0xC180];
	_ =	sdelay $0x1  }
0x160: {  	s20 =	simm.s32 $0x10;
	s19 =	simm.s32 $0x80  }
.LBB2_57:
0x161: {  	s21 =	sand.u32 $0x70, s20;
	s22 =	sand.u32 $0x3C00, s19;
	p0 =	sne.s32 s20, $0x7F0  }
.Ltmp27:
0x162: {  	s20 =	sadd.s32 $0x10, s20;
	s21 =	sor.u32 s21, s22;
	(pc) =	sbr.rel @p0 .LBB2_57-.Ltmp27, $4  }
0x163: {  	v3 =	vmul.f32 v2, v1;
	v1 =	vld [tilespmem:s21+$0x14180]  }
0x164: {  	v2 =	vld [tilespmem:s21+$0xC180]  }
0x165: {  	v0 =	vadd.f32 v3, v0  }
0x166: {  	s19 =	sadd.s32 $0x80, s19  }
0x167: {  	s19 =	simm.s32 $0x0  }
0x168: {  	s20 =	sand.u32 $0x70, s19;
	s19 =	sand.u32 $0x3C00, s19  }
0x169: {  	v2 =	vmul.f32 v2, v1;
	s19 =	sor.u32 s20, s19  }
0x16a: {  	v1 =	vld [tilespmem:s19+$0x14200]  }
0x16b: {  	v0 =	vadd.f32 v2, v0;
	v2 =	vld [tilespmem:s19+$0xC200];
	_ =	sdelay $0x1  }
0x16c: {  	s21 =	simm.s32 $0x80;
	s20 =	simm.s32 $0x10  }
.LBB2_59:
0x16d: {  	s22 =	sand.u32 $0x70, s20;
	s23 =	sand.u32 $0x3C00, s21;
	p0 =	sne.s32 s20, $0x7F0  }
.Ltmp28:
0x16e: {  	s20 =	sadd.s32 $0x10, s20;
	s22 =	sor.u32 s22, s23;
	(pc) =	sbr.rel @p0 .LBB2_59-.Ltmp28, $4  }
0x16f: {  	v3 =	vmul.f32 v2, v1;
	v1 =	vld [tilespmem:s22+$0x14200]  }
0x170: {  	v2 =	vld [tilespmem:s22+$0xC200]  }
0x171: {  	v0 =	vadd.f32 v3, v0  }
0x172: {  	s21 =	sadd.s32 $0x80, s21  }
0x173: {  	_ =	sdelay $0x1  }
0x174: {  	v2 =	vmul.f32 v2, v1  }
0x175: {  	v1 =	vld [tilespmem:s19+$0x14280]  }
0x176: {  	v0 =	vadd.f32 v2, v0;
	v2 =	vld [tilespmem:s19+$0xC280];
	_ =	sdelay $0x1  }
0x177: {  	s20 =	simm.s32 $0x10;
	s19 =	simm.s32 $0x80  }
.LBB2_61:
0x178: {  	s21 =	sand.u32 $0x70, s20;
	s22 =	sand.u32 $0x3C00, s19;
	p0 =	sne.s32 s20, $0x7F0  }
.Ltmp29:
0x179: {  	s20 =	sadd.s32 $0x10, s20;
	s21 =	sor.u32 s21, s22;
	(pc) =	sbr.rel @p0 .LBB2_61-.Ltmp29, $4  }
0x17a: {  	v3 =	vmul.f32 v2, v1;
	v1 =	vld [tilespmem:s21+$0x14280]  }
0x17b: {  	v2 =	vld [tilespmem:s21+$0xC280]  }
0x17c: {  	v0 =	vadd.f32 v3, v0  }
0x17d: {  	s19 =	sadd.s32 $0x80, s19  }
0x17e: {  	s20 =	simm.s32 $0x0  }
0x17f: {  	s21 =	sand.u32 $0x70, s20;
	s19 =	sand.u32 $0x3C00, s20  }
0x180: {  	v2 =	vmul.f32 v2, v1;
	s22 =	sor.u32 s21, s19  }
0x181: {  	v1 =	vld [tilespmem:s22+$0x14300]  }
0x182: {  	v0 =	vadd.f32 v2, v0;
	v2 =	vld [tilespmem:s22+$0xC300];
	_ =	sdelay $0x1  }
0x183: {  	s21 =	simm.s32 $0x10;
	s22 =	simm.s32 $0x80  }
.LBB2_63:
0x184: {  	s23 =	sand.u32 $0x70, s21;
	s24 =	sand.u32 $0x3C00, s22;
	p0 =	sne.s32 s21, $0x7F0  }
.Ltmp30:
0x185: {  	s21 =	sadd.s32 $0x10, s21;
	s23 =	sor.u32 s23, s24;
	(pc) =	sbr.rel @p0 .LBB2_63-.Ltmp30, $4  }
0x186: {  	v3 =	vmul.f32 v2, v1;
	v1 =	vld [tilespmem:s23+$0x14300]  }
0x187: {  	v2 =	vld [tilespmem:s23+$0xC300]  }
0x188: {  	v0 =	vadd.f32 v3, v0  }
0x189: {  	s22 =	sadd.s32 $0x80, s22  }
0x18a: {  	s21 =	sand.u32 $0x7, s20  }
0x18b: {  	s30 =	sand.u32 $0x70, s20;
	s21 =	sshll.u32 s21, $0x4  }
0x18c: {  	s19 =	sor.u32 s30, s19;
	v2 =	vmul.f32 v2, v1;
	s21 =	sadd.s32 $0x0, s21  }
0x18d: {  	v1 =	vld [tilespmem:s19+$0xC380];
	s31 =	sor.u32 $0x380, s21  }
0x18e: {  	s20 =	simm.s32 $0x80;
	s19 =	simm.s32 $0x10;
	s21 =	simm.s32 $0x1;
	v0 =	vadd.f32 v2, v0;
	v2 =	vld [tilespmem:s31+$0x14000]  }
.LBB2_65:
0x18f: {  	s22 =	sand.u32 $0x7, s21;
	p0 =	sne.s32 s19, $0x7F0  }
0x190: {  	s23 =	smov.u32 s19;
	s19 =	sadd.s32 $0x10, s19;
	s24 =	sand.u32 $0x3C00, s20  }
.Ltmp31:
0x191: {  	s22 =	sshll.u32 s22, $0x4;
	s23 =	sand.u32 $0x70, s23;
	(pc) =	sbr.rel @p0 .LBB2_65-.Ltmp31, $4  }
0x192: {  	s22 =	sadd.s32 s22, s20;
	s23 =	sor.u32 s23, s24  }
0x193: {  	s22 =	sor.u32 $0x380, s22;
	v3 =	vmul.f32 v1, v2;
	v1 =	vld [tilespmem:s23+$0xC380]  }
0x194: {  	v2 =	vld [tilespmem:s22+$0x14000]  }
0x195: {  	s21 =	sadd.s32 $0x1, s21;
	s20 =	sadd.s32 $0x80, s20;
	v0 =	vadd.f32 v3, v0  }
0x196: {  	_ =	sdelay $0x2  }
0x197: {  	v1 =	vmul.f32 v1, v2;
	_ =	sdelay $0x1  }
0x198: {  	v0 =	vadd.f32 v1, v0;
	_ =	sdelay $0x1  }
0x199: {  	(xrf2) =	vadd.scan.msk.f32 $0xffff, v0;
	_ =	sdelay $0x6  }
0x19a: {  	s19 =	sshll.u32 s18, $0x7;
	s18 =	sadd.s32 $0x1, s18  }
0x19b: {  	p0 =	sne.s32 s18, $0x8  }
.Ltmp32:
0x19c: {  	_ = 	snop;
	(pc) =	sbr.rel @p0 .LBB2_2-.Ltmp32, $4  }
0x19d: {  	v0, _, _ =	vpop (xrf2)  }
0x19e: {  	v0 =	vbroadcast v0, $0xF  }
0x19f: {  	s19 =	sand.u32 $0x3FFFFF80, s19  }
0x1a0: {  	[tilespmem:s19+$0x18000] =	vst v0  }
0x1a1: {  	s17 =	sadd.s32 $0x1, s17  }
0x1a2: {  	p0 =	sne.s32 s17, s10  }
.Ltmp33:
0x1a3: {  	_ = 	snop;
	(pc) =	sbr.rel @p0 .LBB2_1-.Ltmp33, $4  }
0x1a4: {  	[hbm4b:s9+s2] =	stream.linear.scatter [tilespmem:s16], [sflag:$0x3], $0x400, $0x38;
	[tilespmem:$0x18400] =	vst v63  }
0x1a5: {  	_ =	swait.ge [sflag:s11], $0x400  }
0x1a6: {  	[sflag:s11] =	ssyncset.done $0x0  }
0x1a7: {  	[sflag:s11] =	ssyncadd.s32 $0xFFFFFC00  }
0x1a8: {  	_ =	sfence.sel $0x180000  }
0x1a9: {  	[bflag:$0x0] =	sbarrier.arrive $0xFFFF  }
0x1aa: {  	p0 =	sne.s32 s1, $0x0;
	_ =	strace $0x90000047  }
0x1ab: {  	s0 =	sadd.s32 @!p0 $0x100000, s0;
	[bflag:$0x2] =	sbarrier.arrive $0xFFFF  }
0x1ac: {  	[sflag:s0] =	ssyncadd.tile.s32 @!p0 $0x1;
	_ =	shalt  }
.Lfunc_end2:
_tile_overlayer_lowered:
.L_overlay_start_2:
0x1ad: {  	(tag) =	ssettag $0x2  }
0x1ae: {  	s0 =	rddreg [dreg:$0x0];
	s2 =	stileid.u32  }
0x1af: {  	s1 =	rddreg [dreg:$0x1];
	p0 =	sne.s32 s2, $0x0  }
0x1b0: {  	s3 =	rddreg [dreg:$0x2];
	[bflag:$0x3] =	sbarrier.arrive $0xFFFF;
	s2 =	simm.s32 @!p0 $0x1C03  }
0x1b1: {  	[timem:s3], [sflag:s2] =	dma.local @!p0 [hbm:s0], s1  }
0x1b2: {  	s0 =	simm.s32 @!p0 $0x3  }
0x1b3: {  	_ =	swait.ge @!p0 [sflag:s0], s1  }
0x1b4: {  	s1 =	ssub.s32 @!p0 $0x0, s1;
	[sflag:s0] =	ssyncset.done @!p0 $0x0  }
0x1b5: {  	[sflag:s0] =	ssyncadd.s32 @!p0 s1  }
0x1b6: {  	[bflag:$0x3] =	sbarrier.arrive $0xFFFF  }
0x1b7: {  	_ =	shalt  }

</sc_bundles>
